<compile_context>
chip_gen: v7x
topology: tpu7x:2x2x1
jax: 0.10.2.dev20260603
libtpu: 0.0.44.dev20260713+nightly
codegen_flags: <defaults>
</compile_context>

<pallas_src>
import functools

import jax
import jax.numpy as jnp
from jax import lax
from jax.experimental import pallas as pl
from jax.experimental.pallas import tpu as pltpu
from jax.experimental.pallas import tpu_sc as plsc

N_NODES = 1_000_000
HIDDEN_D = 32
INPUT_D = 32
N_LAYERS = 2
BATCH = 16384
OUT_D = 32

NW = 32
WPW = BATCH // 128 // NW
RSH = 15
KCAP = 895
NWIN = 14
CHL = 512
NCHB = 33
EL = N_NODES // 4
ML = N_NODES // 2

_SC_MESH = plsc.VectorSubcoreMesh(core_axis_name="c", subcore_axis_name="s")
_I16 = lambda: lax.iota(jnp.int32, 16)


def _worker_id():
  return lax.axis_index("s") * 2 + lax.axis_index("c")


@functools.partial(
    pl.kernel,
    mesh=_SC_MESH,
    out_type=(
        jax.ShapeDtypeStruct((BATCH, 128), jnp.float32),
        jax.ShapeDtypeStruct((BATCH, 128), jnp.float32),
    ),
    scratch_types=[
        pltpu.VMEM((128, 128), jnp.int32),
        pltpu.VMEM((WPW, 128), jnp.int32),
        pltpu.VMEM((WPW, 128), jnp.int32),
        pltpu.VMEM((128, 128), jnp.float32),
        pltpu.VMEM((128, 128), jnp.float32),
        pltpu.SemaphoreType.DMA,
        pltpu.SemaphoreType.DMA,
    ],
)
def _sc_gather(ids_hbm, embs_hbm, mem_hbm, gxl_hbm, ghl_hbm,
               idsv, exq_v, emq_v, exl_v, eml_v, sem, sem2):
  wid = _worker_id()
  pltpu.sync_copy(ids_hbm, idsv)
  for j in range(WPW):
    for c in range(8):
      v = idsv[wid * WPW + j, pl.ds(c * 16, 16)]
      exq_v[j, pl.ds(c * 16, 16)] = v >> 2
      emq_v[j, pl.ds(c * 16, 16)] = v >> 1
  for j in range(WPW):
    b0 = pl.multiple_of((wid * WPW + j) * 128, 128)
    ca = pltpu.async_copy(embs_hbm.at[exq_v.at[j]], exl_v, sem)
    cb = pltpu.async_copy(mem_hbm.at[emq_v.at[j]], eml_v, sem2)
    ca.wait()
    cb.wait()
    pltpu.sync_copy(exl_v, gxl_hbm.at[pl.ds(b0, 128)])
    pltpu.sync_copy(eml_v, ghl_hbm.at[pl.ds(b0, 128)])


def _rnn_body(ids_ref, gxl_ref, ghl_ref, wih_ref, whh_ref, bih_ref, bhh_ref,
              wdec_ref, bdec_ref, out_ref, stl_ref):
  f32 = jnp.float32
  idc = ids_ref[...]
  gxl = gxl_ref[...]
  ghl = ghl_ref[...]
  off4 = idc & 3
  x = jnp.where(off4 == 0, gxl[:, 0:32],
                jnp.where(off4 == 1, gxl[:, 32:64],
                          jnp.where(off4 == 2, gxl[:, 64:96],
                                    gxl[:, 96:128])))
  hp = jnp.where((idc & 1) == 0, ghl[:, 0:64], ghl[:, 64:128])
  h0 = hp[:, 0:32]
  h1 = hp[:, 32:64]
  h0n = jnp.tanh(
      jnp.dot(x, wih_ref[0], preferred_element_type=f32)
      + jnp.dot(h0, whh_ref[0], preferred_element_type=f32)
      + (bih_ref[0] + bhh_ref[0])[None, :])
  h1n = jnp.tanh(
      jnp.dot(h0n, wih_ref[1], preferred_element_type=f32)
      + jnp.dot(h1, whh_ref[1], preferred_element_type=f32)
      + (bih_ref[1] + bhh_ref[1])[None, :])
  out_ref[...] = (jnp.dot(h1n, wdec_ref[...], preferred_element_type=f32)
                  + bdec_ref[...][None, :])
  stl_ref[:, 0:32] = h0n
  stl_ref[:, 32:64] = h1n


_RB = 1024

_rnn_call = pl.pallas_call(
    _rnn_body,
    grid=(BATCH // _RB,),
    in_specs=[
        pl.BlockSpec((_RB, 1), lambda i: (i, 0)),
        pl.BlockSpec((_RB, 128), lambda i: (i, 0)),
        pl.BlockSpec((_RB, 128), lambda i: (i, 0)),
        pl.BlockSpec((N_LAYERS, HIDDEN_D, HIDDEN_D), lambda i: (0, 0, 0)),
        pl.BlockSpec((N_LAYERS, HIDDEN_D, HIDDEN_D), lambda i: (0, 0, 0)),
        pl.BlockSpec((N_LAYERS, HIDDEN_D), lambda i: (0, 0)),
        pl.BlockSpec((N_LAYERS, HIDDEN_D), lambda i: (0, 0)),
        pl.BlockSpec((HIDDEN_D, OUT_D), lambda i: (0, 0)),
        pl.BlockSpec((OUT_D,), lambda i: (0,)),
    ],
    out_specs=(
        pl.BlockSpec((_RB, OUT_D), lambda i: (i, 0)),
        pl.BlockSpec((_RB, 2 * HIDDEN_D), lambda i: (i, 0)),
    ),
    out_shape=(
        jax.ShapeDtypeStruct((BATCH, OUT_D), jnp.float32),
        jax.ShapeDtypeStruct((BATCH, 2 * HIDDEN_D), jnp.float32),
    ),
)


def _copy_body(src_ref, dst_ref):
  dst_ref[...] = src_ref[...]


_copy_call = pl.pallas_call(
    _copy_body,
    grid=(125,),
    in_specs=[pl.BlockSpec((4000, 128), lambda i: (i, 0))],
    out_specs=pl.BlockSpec((4000, 128), lambda i: (i, 0)),
    out_shape=jax.ShapeDtypeStruct((ML, 128), jnp.float32),
)


_SB = 128
_NSEM = 8


def _scatter_body(ids_s, base_ref, st_ref, out_ref, sems):
  del base_ref
  g = pl.program_id(0)

  def issue(i2, c):
    for j in range(_NSEM):
      i = i2 * _NSEM + j
      k = g * _SB + i
      row = ids_s[k]
      cp = pltpu.make_async_copy(
          st_ref.at[pl.ds(i, 1)], out_ref.at[pl.ds(row, 1)], sems.at[j])
      @pl.when(i2 >= 1)
      def _():
        cp.wait()
      cp.start()
    return c
  lax.fori_loop(0, _SB // _NSEM, issue, 0)

  for j in range(_NSEM):
    pltpu.make_async_copy(
        st_ref.at[pl.ds(0, 1)], out_ref.at[pl.ds(0, 1)], sems.at[j]).wait()


_scatter_call = pl.pallas_call(
    _scatter_body,
    grid_spec=pltpu.PrefetchScalarGridSpec(
        num_scalar_prefetch=1,
        grid=(BATCH // _SB,),
        in_specs=[
            pl.BlockSpec(memory_space=pltpu.MemorySpace.HBM),
            pl.BlockSpec((_SB, 2 * HIDDEN_D), lambda i, ids: (i, 0)),
        ],
        out_specs=pl.BlockSpec(memory_space=pltpu.MemorySpace.HBM),
        scratch_shapes=[pltpu.SemaphoreType.DMA((_NSEM,))],
    ),
    out_shape=jax.ShapeDtypeStruct((N_NODES, 2 * HIDDEN_D), jnp.float32),
    input_output_aliases={1: 0},
)


def kernel(node_embs, memory, W_ih, W_hh, b_ih, b_hh, W_dec, b_dec, ids):
  ids2 = ids.reshape(128, 128)
  ids_col = ids.reshape(BATCH, 1)
  embs_l = node_embs.reshape(EL, 128)
  mem_l = memory.reshape(ML, 128)
  gxl, ghl = _sc_gather(ids2, embs_l, mem_l)
  out, st = _rnn_call(ids_col, gxl, ghl, W_ih, W_hh, b_ih, b_hh,
                      W_dec, b_dec)
  base = _copy_call(mem_l).reshape(N_NODES, 2 * HIDDEN_D)
  new_mem = _scatter_call(ids, base, st)
  new_memory = new_mem.reshape(N_NODES, N_LAYERS, HIDDEN_D)
  return out, new_memory

# --- scband reference (transcript-rebuilt; emitter-appended) ---
"""Pipeline reference for scband-sequential-decoder-10625749090465 (READ-ONLY COPY).

The authoritative reference and input builder live on the scoring server;
editing this copy changes nothing except your own understanding.
"""

import jax, jax.numpy as jnp
import numpy as np

N_NODES = 1000000
HIDDEN_D = 32
INPUT_D = 32
N_LAYERS = 2
BATCH = 16384
OUT_D = 32


def setup_inputs(seed: int = 0) -> dict:
    key = jax.random.key(seed)
    ks = jax.random.split(key, 10)
    node_embs = jax.random.normal(ks[0], (N_NODES, INPUT_D), dtype=jnp.float32)
    ids = jax.random.randint(ks[1], (BATCH,), 0, N_NODES, dtype=jnp.int32)
    # NodeMemory state: np.random.rand(n_nodes, n_layers, hidden_d)
    memory = jax.random.uniform(ks[2], (N_NODES, N_LAYERS, HIDDEN_D), dtype=jnp.float32)
    # base_model: stacked single-step RNN (tanh cells), one per layer
    W_ih = jax.random.normal(ks[3], (N_LAYERS, HIDDEN_D, HIDDEN_D), dtype=jnp.float32) * 0.05
    W_hh = jax.random.normal(ks[4], (N_LAYERS, HIDDEN_D, HIDDEN_D), dtype=jnp.float32) * 0.05
    b_ih = jnp.zeros((N_LAYERS, HIDDEN_D), dtype=jnp.float32)
    b_hh = jnp.zeros((N_LAYERS, HIDDEN_D), dtype=jnp.float32)
    # simple_decoder: linear head on [B, hidden_d]
    W_dec = jax.random.normal(ks[5], (HIDDEN_D, OUT_D), dtype=jnp.float32) * 0.05
    b_dec = jnp.zeros((OUT_D,), dtype=jnp.float32)
    return {
        "node_embs": node_embs,
        "memory": memory,
        "W_ih": W_ih,
        "W_hh": W_hh,
        "b_ih": b_ih,
        "b_hh": b_hh,
        "W_dec": W_dec,
        "b_dec": b_dec,
        "ids": ids,
    }


def reference(node_embs, memory, W_ih, W_hh, b_ih, b_hh, W_dec, b_dec, ids):
    # not mini_batch: gather node embeddings by ids
    x = jnp.take(node_embs, ids, axis=0)                      # [B, input_d]
    x = jnp.reshape(x, (-1, INPUT_D))                         # seq_len 1 flattened
    # h = transpose(memory[ids], [1,0,2]) -> [n_layers, B, hidden_d]
    h = jnp.transpose(jnp.take(memory, ids, axis=0), (1, 0, 2))
    # base_model: stacked RNN cells, single time step
    new_h = []
    inp = x
    for l in range(N_LAYERS):
        hl = jnp.tanh(inp @ W_ih[l] + b_ih[l] + h[l] @ W_hh[l] + b_hh[l])
        new_h.append(hl)
        inp = hl
    out_sequential = new_h[-1]                                # [B, hidden_d]
    # update_memory: scatter-overwrite rows by ids
    stacked = jnp.stack(new_h, axis=1)                        # [B, n_layers, hidden_d]
    new_memory = memory.at[ids].set(stacked)
    # simple_decoder on reshaped output
    out = jnp.reshape(out_sequential, (-1, HIDDEN_D)) @ W_dec + b_dec
    return out, new_memory

if __name__ == "__main__":
    import jax
    _d = setup_inputs()
    print(jax.jit(kernel)(*tuple(_d.values())))

</pallas_src>

<mosaic_0001>
#map = affine_map<(d0, d1) -> (0, 0)>
module attributes {stable_mosaic.version = 14 : i64} {
  func.func @_sc_gather(%arg0: i32, %arg1: i32, %arg2: memref<128x128xi32, #tpu.memory_space<hbm>>, %arg3: memref<250000x128xf32, #tpu.memory_space<hbm>>, %arg4: memref<500000x128xf32, #tpu.memory_space<hbm>>, %arg5: memref<16384x128xf32, #tpu.memory_space<hbm>>, %arg6: memref<16384x128xf32, #tpu.memory_space<hbm>>, %arg7: memref<128x128xi32, #tpu.memory_space<vmem>>, %arg8: memref<4x128xi32, #tpu.memory_space<vmem>>, %arg9: memref<4x128xi32, #tpu.memory_space<vmem>>, %arg10: memref<128x128xf32, #tpu.memory_space<vmem>>, %arg11: memref<128x128xf32, #tpu.memory_space<vmem>>, %arg12: memref<!tpu.dma_semaphore, #tpu.memory_space<semaphore_mem>>, %arg13: memref<!tpu.dma_semaphore, #tpu.memory_space<semaphore_mem>>) attributes {dimension_semantics = [#tpu.dimension_semantics<core_parallel>, #tpu.dimension_semantics<subcore_parallel>], iteration_bounds = array<i64: 2, 16>, scalar_prefetch = 0 : i64, scratch_operands = 7 : i64, tpu.core_type = #tpu.core_type<sc_vector_subcore>, window_params = [{transform_indices = #map}, {transform_indices = #map}, {transform_indices = #map}, {transform_indices = #map}, {transform_indices = #map}]} {
    %mul3A = arith.constant 2 : i32
    %mul3A_0 = arith.muli %arg1, %mul3A : i32
    %add3A = arith.addi %mul3A_0, %arg0 : i32
    "tpu.region"() ({
      %run_scoped3A = tpu.sem_alloc : memref<!tpu.dma_semaphore, #tpu.memory_space<semaphore_mem>>
      tpu.enqueue_dma source(%arg2 : memref<128x128xi32, #tpu.memory_space<hbm>>) target(%arg7 : memref<128x128xi32, #tpu.memory_space<vmem>>) target_semaphore(%run_scoped3A : memref<!tpu.dma_semaphore, #tpu.memory_space<semaphore_mem>>)
      tpu.wait_dma2 semaphore(%run_scoped3A : memref<!tpu.dma_semaphore, #tpu.memory_space<semaphore_mem>>) src(%arg2 : memref<128x128xi32, #tpu.memory_space<hbm>>) dst(%arg7 : memref<128x128xi32, #tpu.memory_space<vmem>>)
      tpu.yield
    }) : () -> ()
    %mul3A_1 = arith.constant 4 : i32
    %mul3A_2 = arith.muli %add3A, %mul3A_1 : i32
    %add3A_3 = arith.constant 0 : i32
    %add3A_4 = arith.addi %mul3A_2, %add3A_3 : i32
    %get3A = arith.index_cast %add3A_4 : i32 to index
    %get3A_5 = arith.constant 0 : index
    %get3A_6 = tpu.vector_load %arg7[%get3A, %get3A_5] {strides = array<i32>} : memref<128x128xi32, #tpu.memory_space<vmem>>, vector<1x16xi32>,
    %get3A_7 = vector.shape_cast %get3A_6 : vector<1x16xi32> to vector<16xi32>
    %shift_right_arithmetic3A = arith.constant 2 : i32
    %shift_right_arithmetic3A_8 = vector.broadcast %shift_right_arithmetic3A : i32 to vector<16xi32>
    %shift_right_arithmetic3A_9 = arith.shrsi %get3A_7, %shift_right_arithmetic3A_8 : vector<16xi32>
    %swap3A = arith.constant 0 : i32
    %swap3A_10 = arith.index_cast %swap3A : i32 to index
    %swap3A_11 = arith.constant 0 : index
    %swap3A_12 = tpu.vector_load %arg8[%swap3A_10, %swap3A_11] {strides = array<i32>} : memref<4x128xi32, #tpu.memory_space<vmem>>, vector<1x16xi32>,
    %swap3A_13 = vector.shape_cast %swap3A_12 : vector<1x16xi32> to vector<16xi32>
    %swap3A_14 = vector.shape_cast %shift_right_arithmetic3A_9 : vector<16xi32> to vector<1x16xi32>
    tpu.vector_store %arg8[%swap3A_10, %swap3A_11], %swap3A_14 {strides = array<i32>} : memref<4x128xi32, #tpu.memory_space<vmem>>, vector<1x16xi32>,
    %shift_right_arithmetic3A_15 = arith.constant 1 : i32
    %shift_right_arithmetic3A_16 = vector.broadcast %shift_right_arithmetic3A_15 : i32 to vector<16xi32>
    %shift_right_arithmetic3A_17 = arith.shrsi %get3A_7, %shift_right_arithmetic3A_16 : vector<16xi32>
    %swap3A_18 = arith.constant 0 : i32
    %swap3A_19 = arith.index_cast %swap3A_18 : i32 to index
    %swap3A_20 = arith.constant 0 : index
    %swap3A_21 = tpu.vector_load %arg9[%swap3A_19, %swap3A_20] {strides = array<i32>} : memref<4x128xi32, #tpu.memory_space<vmem>>, vector<1x16xi32>,
    %swap3A_22 = vector.shape_cast %swap3A_21 : vector<1x16xi32> to vector<16xi32>
    %swap3A_23 = vector.shape_cast %shift_right_arithmetic3A_17 : vector<16xi32> to vector<1x16xi32>
    tpu.vector_store %arg9[%swap3A_19, %swap3A_20], %swap3A_23 {strides = array<i32>} : memref<4x128xi32, #tpu.memory_space<vmem>>, vector<1x16xi32>,
    %mul3A_24 = arith.constant 4 : i32
    %mul3A_25 = arith.muli %add3A, %mul3A_24 : i32
    %add3A_26 = arith.constant 0 : i32
    %add3A_27 = arith.addi %mul3A_25, %add3A_26 : i32
    %get3A_28 = arith.index_cast %add3A_27 : i32 to index
    %get3A_29 = arith.constant 16 : index
    %get3A_30 = tpu.vector_load %arg7[%get3A_28, %get3A_29] {strides = array<i32>} : memref<128x128xi32, #tpu.memory_space<vmem>>, vector<1x16xi32>,
    %get3A_31 = vector.shape_cast %get3A_30 : vector<1x16xi32> to vector<16xi32>
    %shift_right_arithmetic3A_32 = arith.constant 2 : i32
    %shift_right_arithmetic3A_33 = vector.broadcast %shift_right_arithmetic3A_32 : i32 to vector<16xi32>
    %shift_right_arithmetic3A_34 = arith.shrsi %get3A_31, %shift_right_arithmetic3A_33 : vector<16xi32>
    %swap3A_35 = arith.constant 0 : i32
    %swap3A_36 = arith.index_cast %swap3A_35 : i32 to index
    %swap3A_37 = arith.constant 16 : index
    %swap3A_38 = tpu.vector_load %arg8[%swap3A_36, %swap3A_37] {strides = array<i32>} : memref<4x128xi32, #tpu.memory_space<vmem>>, vector<1x16xi32>,
    %swap3A_39 = vector.shape_cast %swap3A_38 : vector<1x16xi32> to vector<16xi32>
    %swap3A_40 = vector.shape_cast %shift_right_arithmetic3A_34 : vector<16xi32> to vector<1x16xi32>
    tpu.vector_store %arg8[%swap3A_36, %swap3A_37], %swap3A_40 {strides = array<i32>} : memref<4x128xi32, #tpu.memory_space<vmem>>, vector<1x16xi32>,
    %shift_right_arithmetic3A_41 = arith.constant 1 : i32
    %shift_right_arithmetic3A_42 = vector.broadcast %shift_right_arithmetic3A_41 : i32 to vector<16xi32>
    %shift_right_arithmetic3A_43 = arith.shrsi %get3A_31, %shift_right_arithmetic3A_42 : vector<16xi32>
    %swap3A_44 = arith.constant 0 : i32
    %swap3A_45 = arith.index_cast %swap3A_44 : i32 to index
    %swap3A_46 = arith.constant 16 : index
    %swap3A_47 = tpu.vector_load %arg9[%swap3A_45, %swap3A_46] {strides = array<i32>} : memref<4x128xi32, #tpu.memory_space<vmem>>, vector<1x16xi32>,
    %swap3A_48 = vector.shape_cast %swap3A_47 : vector<1x16xi32> to vector<16xi32>
    %swap3A_49 = vector.shape_cast %shift_right_arithmetic3A_43 : vector<16xi32> to vector<1x16xi32>
    tpu.vector_store %arg9[%swap3A_45, %swap3A_46], %swap3A_49 {strides = array<i32>} : memref<4x128xi32, #tpu.memory_space<vmem>>, vector<1x16xi32>,
    %mul3A_50 = arith.constant 4 : i32
    %mul3A_51 = arith.muli %add3A, %mul3A_50 : i32
    %add3A_52 = arith.constant 0 : i32
    %add3A_53 = arith.addi %mul3A_51, %add3A_52 : i32
    %get3A_54 = arith.index_cast %add3A_53 : i32 to index
    %get3A_55 = arith.constant 32 : index
    %get3A_56 = tpu.vector_load %arg7[%get3A_54, %get3A_55] {strides = array<i32>} : memref<128x128xi32, #tpu.memory_space<vmem>>, vector<1x16xi32>,
    %get3A_57 = vector.shape_cast %get3A_56 : vector<1x16xi32> to vector<16xi32>
    %shift_right_arithmetic3A_58 = arith.constant 2 : i32
    %shift_right_arithmetic3A_59 = vector.broadcast %shift_right_arithmetic3A_58 : i32 to vector<16xi32>
    %shift_right_arithmetic3A_60 = arith.shrsi %get3A_57, %shift_right_arithmetic3A_59 : vector<16xi32>
    %swap3A_61 = arith.constant 0 : i32
    %swap3A_62 = arith.index_cast %swap3A_61 : i32 to index
    %swap3A_63 = arith.constant 32 : index
    %swap3A_64 = tpu.vector_load %arg8[%swap3A_62, %swap3A_63] {strides = array<i32>} : memref<4x128xi32, #tpu.memory_space<vmem>>, vector<1x16xi32>,
    %swap3A_65 = vector.shape_cast %swap3A_64 : vector<1x16xi32> to vector<16xi32>
    %swap3A_66 = vector.shape_cast %shift_right_arithmetic3A_60 : vector<16xi32> to vector<1x16xi32>
    tpu.vector_store %arg8[%swap3A_62, %swap3A_63], %swap3A_66 {strides = array<i32>} : memref<4x128xi32, #tpu.memory_space<vmem>>, vector<1x16xi32>,
    %shift_right_arithmetic3A_67 = arith.constant 1 : i32
    %shift_right_arithmetic3A_68 = vector.broadcast %shift_right_arithmetic3A_67 : i32 to vector<16xi32>
    %shift_right_arithmetic3A_69 = arith.shrsi %get3A_57, %shift_right_arithmetic3A_68 : vector<16xi32>
    %swap3A_70 = arith.constant 0 : i32
    %swap3A_71 = arith.index_cast %swap3A_70 : i32 to index
    %swap3A_72 = arith.constant 32 : index
    %swap3A_73 = tpu.vector_load %arg9[%swap3A_71, %swap3A_72] {strides = array<i32>} : memref<4x128xi32, #tpu.memory_space<vmem>>, vector<1x16xi32>,
    %swap3A_74 = vector.shape_cast %swap3A_73 : vector<1x16xi32> to vector<16xi32>
    %swap3A_75 = vector.shape_cast %shift_right_arithmetic3A_69 : vector<16xi32> to vector<1x16xi32>
    tpu.vector_store %arg9[%swap3A_71, %swap3A_72], %swap3A_75 {strides = array<i32>} : memref<4x128xi32, #tpu.memory_space<vmem>>, vector<1x16xi32>,
    %mul3A_76 = arith.constant 4 : i32
    %mul3A_77 = arith.muli %add3A, %mul3A_76 : i32
    %add3A_78 = arith.constant 0 : i32
    %add3A_79 = arith.addi %mul3A_77, %add3A_78 : i32
    %get3A_80 = arith.index_cast %add3A_79 : i32 to index
    %get3A_81 = arith.constant 48 : index
    %get3A_82 = tpu.vector_load %arg7[%get3A_80, %get3A_81] {strides = array<i32>} : memref<128x128xi32, #tpu.memory_space<vmem>>, vector<1x16xi32>,
    %get3A_83 = vector.shape_cast %get3A_82 : vector<1x16xi32> to vector<16xi32>
    %shift_right_arithmetic3A_84 = arith.constant 2 : i32
    %shift_right_arithmetic3A_85 = vector.broadcast %shift_right_arithmetic3A_84 : i32 to vector<16xi32>
    %shift_right_arithmetic3A_86 = arith.shrsi %get3A_83, %shift_right_arithmetic3A_85 : vector<16xi32>
    %swap3A_87 = arith.constant 0 : i32
    %swap3A_88 = arith.index_cast %swap3A_87 : i32 to index
    %swap3A_89 = arith.constant 48 : index
    %swap3A_90 = tpu.vector_load %arg8[%swap3A_88, %swap3A_89] {strides = array<i32>} : memref<4x128xi32, #tpu.memory_space<vmem>>, vector<1x16xi32>,
    %swap3A_91 = vector.shape_cast %swap3A_90 : vector<1x16xi32> to vector<16xi32>
    %swap3A_92 = vector.shape_cast %shift_right_arithmetic3A_86 : vector<16xi32> to vector<1x16xi32>
    tpu.vector_store %arg8[%swap3A_88, %swap3A_89], %swap3A_92 {strides = array<i32>} : memref<4x128xi32, #tpu.memory_space<vmem>>, vector<1x16xi32>,
    %shift_right_arithmetic3A_93 = arith.constant 1 : i32
    %shift_right_arithmetic3A_94 = vector.broadcast %shift_right_arithmetic3A_93 : i32 to vector<16xi32>
    %shift_right_arithmetic3A_95 = arith.shrsi %get3A_83, %shift_right_arithmetic3A_94 : vector<16xi32>
    %swap3A_96 = arith.constant 0 : i32
    %swap3A_97 = arith.index_cast %swap3A_96 : i32 to index
    %swap3A_98 = arith.constant 48 : index
    %swap3A_99 = tpu.vector_load %arg9[%swap3A_97, %swap3A_98] {strides = array<i32>} : memref<4x128xi32, #tpu.memory_space<vmem>>, vector<1x16xi32>,
    %swap3A_100 = vector.shape_cast %swap3A_99 : vector<1x16xi32> to vector<16xi32>
    %swap3A_101 = vector.shape_cast %shift_right_arithmetic3A_95 : vector<16xi32> to vector<1x16xi32>
    tpu.vector_store %arg9[%swap3A_97, %swap3A_98], %swap3A_101 {strides = array<i32>} : memref<4x128xi32, #tpu.memory_space<vmem>>, vector<1x16xi32>,
    %mul3A_102 = arith.constant 4 : i32
    %mul3A_103 = arith.muli %add3A, %mul3A_102 : i32
    %add3A_104 = arith.constant 0 : i32
    %add3A_105 = arith.addi %mul3A_103, %add3A_104 : i32
    %get3A_106 = arith.index_cast %add3A_105 : i32 to index
    %get3A_107 = arith.constant 64 : index
    %get3A_108 = tpu.vector_load %arg7[%get3A_106, %get3A_107] {strides = array<i32>} : memref<128x128xi32, #tpu.memory_space<vmem>>, vector<1x16xi32>,
    %get3A_109 = vector.shape_cast %get3A_108 : vector<1x16xi32> to vector<16xi32>
    %shift_right_arithmetic3A_110 = arith.constant 2 : i32
    %shift_right_arithmetic3A_111 = vector.broadcast %shift_right_arithmetic3A_110 : i32 to vector<16xi32>
    %shift_right_arithmetic3A_112 = arith.shrsi %get3A_109, %shift_right_arithmetic3A_111 : vector<16xi32>
    %swap3A_113 = arith.constant 0 : i32
    %swap3A_114 = arith.index_cast %swap3A_113 : i32 to index
    %swap3A_115 = arith.constant 64 : index
    %swap3A_116 = tpu.vector_load %arg8[%swap3A_114, %swap3A_115] {strides = array<i32>} : memref<4x128xi32, #tpu.memory_space<vmem>>, vector<1x16xi32>,
    %swap3A_117 = vector.shape_cast %swap3A_116 : vector<1x16xi32> to vector<16xi32>
    %swap3A_118 = vector.shape_cast %shift_right_arithmetic3A_112 : vector<16xi32> to vector<1x16xi32>
    tpu.vector_store %arg8[%swap3A_114, %swap3A_115], %swap3A_118 {strides = array<i32>} : memref<4x128xi32, #tpu.memory_space<vmem>>, vector<1x16xi32>,
    %shift_right_arithmetic3A_119 = arith.constant 1 : i32
    %shift_right_arithmetic3A_120 = vector.broadcast %shift_right_arithmetic3A_119 : i32 to vector<16xi32>
    %shift_right_arithmetic3A_121 = arith.shrsi %get3A_109, %shift_right_arithmetic3A_120 : vector<16xi32>
    %swap3A_122 = arith.constant 0 : i32
    %swap3A_123 = arith.index_cast %swap3A_122 : i32 to index
    %swap3A_124 = arith.constant 64 : index
    %swap3A_125 = tpu.vector_load %arg9[%swap3A_123, %swap3A_124] {strides = array<i32>} : memref<4x128xi32, #tpu.memory_space<vmem>>, vector<1x16xi32>,
    %swap3A_126 = vector.shape_cast %swap3A_125 : vector<1x16xi32> to vector<16xi32>
    %swap3A_127 = vector.shape_cast %shift_right_arithmetic3A_121 : vector<16xi32> to vector<1x16xi32>
    tpu.vector_store %arg9[%swap3A_123, %swap3A_124], %swap3A_127 {strides = array<i32>} : memref<4x128xi32, #tpu.memory_space<vmem>>, vector<1x16xi32>,
    %mul3A_128 = arith.constant 4 : i32
    %mul3A_129 = arith.muli %add3A, %mul3A_128 : i32
    %add3A_130 = arith.constant 0 : i32
    %add3A_131 = arith.addi %mul3A_129, %add3A_130 : i32
    %get3A_132 = arith.index_cast %add3A_131 : i32 to index
    %get3A_133 = arith.constant 80 : index
    %get3A_134 = tpu.vector_load %arg7[%get3A_132, %get3A_133] {strides = array<i32>} : memref<128x128xi32, #tpu.memory_space<vmem>>, vector<1x16xi32>,
    %get3A_135 = vector.shape_cast %get3A_134 : vector<1x16xi32> to vector<16xi32>
    %shift_right_arithmetic3A_136 = arith.constant 2 : i32
    %shift_right_arithmetic3A_137 = vector.broadcast %shift_right_arithmetic3A_136 : i32 to vector<16xi32>
    %shift_right_arithmetic3A_138 = arith.shrsi %get3A_135, %shift_right_arithmetic3A_137 : vector<16xi32>
    %swap3A_139 = arith.constant 0 : i32
    %swap3A_140 = arith.index_cast %swap3A_139 : i32 to index
    %swap3A_141 = arith.constant 80 : index
    %swap3A_142 = tpu.vector_load %arg8[%swap3A_140, %swap3A_141] {strides = array<i32>} : memref<4x128xi32, #tpu.memory_space<vmem>>, vector<1x16xi32>,
    %swap3A_143 = vector.shape_cast %swap3A_142 : vector<1x16xi32> to vector<16xi32>
    %swap3A_144 = vector.shape_cast %shift_right_arithmetic3A_138 : vector<16xi32> to vector<1x16xi32>
    tpu.vector_store %arg8[%swap3A_140, %swap3A_141], %swap3A_144 {strides = array<i32>} : memref<4x128xi32, #tpu.memory_space<vmem>>, vector<1x16xi32>,
    %shift_right_arithmetic3A_145 = arith.constant 1 : i32
    %shift_right_arithmetic3A_146 = vector.broadcast %shift_right_arithmetic3A_145 : i32 to vector<16xi32>
    %shift_right_arithmetic3A_147 = arith.shrsi %get3A_135, %shift_right_arithmetic3A_146 : vector<16xi32>
    %swap3A_148 = arith.constant 0 : i32
    %swap3A_149 = arith.index_cast %swap3A_148 : i32 to index
    %swap3A_150 = arith.constant 80 : index
    %swap3A_151 = tpu.vector_load %arg9[%swap3A_149, %swap3A_150] {strides = array<i32>} : memref<4x128xi32, #tpu.memory_space<vmem>>, vector<1x16xi32>,
    %swap3A_152 = vector.shape_cast %swap3A_151 : vector<1x16xi32> to vector<16xi32>
    %swap3A_153 = vector.shape_cast %shift_right_arithmetic3A_147 : vector<16xi32> to vector<1x16xi32>
    tpu.vector_store %arg9[%swap3A_149, %swap3A_150], %swap3A_153 {strides = array<i32>} : memref<4x128xi32, #tpu.memory_space<vmem>>, vector<1x16xi32>,
    %mul3A_154 = arith.constant 4 : i32
    %mul3A_155 = arith.muli %add3A, %mul3A_154 : i32
    %add3A_156 = arith.constant 0 : i32
    %add3A_157 = arith.addi %mul3A_155, %add3A_156 : i32
    %get3A_158 = arith.index_cast %add3A_157 : i32 to index
    %get3A_159 = arith.constant 96 : index
    %get3A_160 = tpu.vector_load %arg7[%get3A_158, %get3A_159] {strides = array<i32>} : memref<128x128xi32, #tpu.memory_space<vmem>>, vector<1x16xi32>,
    %get3A_161 = vector.shape_cast %get3A_160 : vector<1x16xi32> to vector<16xi32>
    %shift_right_arithmetic3A_162 = arith.constant 2 : i32
    %shift_right_arithmetic3A_163 = vector.broadcast %shift_right_arithmetic3A_162 : i32 to vector<16xi32>
    %shift_right_arithmetic3A_164 = arith.shrsi %get3A_161, %shift_right_arithmetic3A_163 : vector<16xi32>
    %swap3A_165 = arith.constant 0 : i32
    %swap3A_166 = arith.index_cast %swap3A_165 : i32 to index
    %swap3A_167 = arith.constant 96 : index
    %swap3A_168 = tpu.vector_load %arg8[%swap3A_166, %swap3A_167] {strides = array<i32>} : memref<4x128xi32, #tpu.memory_space<vmem>>, vector<1x16xi32>,
    %swap3A_169 = vector.shape_cast %swap3A_168 : vector<1x16xi32> to vector<16xi32>
    %swap3A_170 = vector.shape_cast %shift_right_arithmetic3A_164 : vector<16xi32> to vector<1x16xi32>
    tpu.vector_store %arg8[%swap3A_166, %swap3A_167], %swap3A_170 {strides = array<i32>} : memref<4x128xi32, #tpu.memory_space<vmem>>, vector<1x16xi32>,
    %shift_right_arithmetic3A_171 = arith.constant 1 : i32
    %shift_right_arithmetic3A_172 = vector.broadcast %shift_right_arithmetic3A_171 : i32 to vector<16xi32>
    %shift_right_arithmetic3A_173 = arith.shrsi %get3A_161, %shift_right_arithmetic3A_172 : vector<16xi32>
    %swap3A_174 = arith.constant 0 : i32
    %swap3A_175 = arith.index_cast %swap3A_174 : i32 to index
    %swap3A_176 = arith.constant 96 : index
    %swap3A_177 = tpu.vector_load %arg9[%swap3A_175, %swap3A_176] {strides = array<i32>} : memref<4x128xi32, #tpu.memory_space<vmem>>, vector<1x16xi32>,
    %swap3A_178 = vector.shape_cast %swap3A_177 : vector<1x16xi32> to vector<16xi32>
    %swap3A_179 = vector.shape_cast %shift_right_arithmetic3A_173 : vector<16xi32> to vector<1x16xi32>
    tpu.vector_store %arg9[%swap3A_175, %swap3A_176], %swap3A_179 {strides = array<i32>} : memref<4x128xi32, #tpu.memory_space<vmem>>, vector<1x16xi32>,
    %mul3A_180 = arith.constant 4 : i32
    %mul3A_181 = arith.muli %add3A, %mul3A_180 : i32
    %add3A_182 = arith.constant 0 : i32
    %add3A_183 = arith.addi %mul3A_181, %add3A_182 : i32
    %get3A_184 = arith.index_cast %add3A_183 : i32 to index
    %get3A_185 = arith.constant 112 : index
    %get3A_186 = tpu.vector_load %arg7[%get3A_184, %get3A_185] {strides = array<i32>} : memref<128x128xi32, #tpu.memory_space<vmem>>, vector<1x16xi32>,
    %get3A_187 = vector.shape_cast %get3A_186 : vector<1x16xi32> to vector<16xi32>
    %shift_right_arithmetic3A_188 = arith.constant 2 : i32
    %shift_right_arithmetic3A_189 = vector.broadcast %shift_right_arithmetic3A_188 : i32 to vector<16xi32>
    %shift_right_arithmetic3A_190 = arith.shrsi %get3A_187, %shift_right_arithmetic3A_189 : vector<16xi32>
    %swap3A_191 = arith.constant 0 : i32
    %swap3A_192 = arith.index_cast %swap3A_191 : i32 to index
    %swap3A_193 = arith.constant 112 : index
    %swap3A_194 = tpu.vector_load %arg8[%swap3A_192, %swap3A_193] {strides = array<i32>} : memref<4x128xi32, #tpu.memory_space<vmem>>, vector<1x16xi32>,
    %swap3A_195 = vector.shape_cast %swap3A_194 : vector<1x16xi32> to vector<16xi32>
    %swap3A_196 = vector.shape_cast %shift_right_arithmetic3A_190 : vector<16xi32> to vector<1x16xi32>
    tpu.vector_store %arg8[%swap3A_192, %swap3A_193], %swap3A_196 {strides = array<i32>} : memref<4x128xi32, #tpu.memory_space<vmem>>, vector<1x16xi32>,
    %shift_right_arithmetic3A_197 = arith.constant 1 : i32
    %shift_right_arithmetic3A_198 = vector.broadcast %shift_right_arithmetic3A_197 : i32 to vector<16xi32>
    %shift_right_arithmetic3A_199 = arith.shrsi %get3A_187, %shift_right_arithmetic3A_198 : vector<16xi32>
    %swap3A_200 = arith.constant 0 : i32
    %swap3A_201 = arith.index_cast %swap3A_200 : i32 to index
    %swap3A_202 = arith.constant 112 : index
    %swap3A_203 = tpu.vector_load %arg9[%swap3A_201, %swap3A_202] {strides = array<i32>} : memref<4x128xi32, #tpu.memory_space<vmem>>, vector<1x16xi32>,
    %swap3A_204 = vector.shape_cast %swap3A_203 : vector<1x16xi32> to vector<16xi32>
    %swap3A_205 = vector.shape_cast %shift_right_arithmetic3A_199 : vector<16xi32> to vector<1x16xi32>
    tpu.vector_store %arg9[%swap3A_201, %swap3A_202], %swap3A_205 {strides = array<i32>} : memref<4x128xi32, #tpu.memory_space<vmem>>, vector<1x16xi32>,
    %mul3A_206 = arith.constant 4 : i32
    %mul3A_207 = arith.muli %add3A, %mul3A_206 : i32
    %add3A_208 = arith.constant 1 : i32
    %add3A_209 = arith.addi %mul3A_207, %add3A_208 : i32
    %get3A_210 = arith.index_cast %add3A_209 : i32 to index
    %get3A_211 = arith.constant 0 : index
    %get3A_212 = tpu.vector_load %arg7[%get3A_210, %get3A_211] {strides = array<i32>} : memref<128x128xi32, #tpu.memory_space<vmem>>, vector<1x16xi32>,
    %get3A_213 = vector.shape_cast %get3A_212 : vector<1x16xi32> to vector<16xi32>
    %shift_right_arithmetic3A_214 = arith.constant 2 : i32
    %shift_right_arithmetic3A_215 = vector.broadcast %shift_right_arithmetic3A_214 : i32 to vector<16xi32>
    %shift_right_arithmetic3A_216 = arith.shrsi %get3A_213, %shift_right_arithmetic3A_215 : vector<16xi32>
    %swap3A_217 = arith.constant 1 : i32
    %swap3A_218 = arith.index_cast %swap3A_217 : i32 to index
    %swap3A_219 = arith.constant 0 : index
    %swap3A_220 = tpu.vector_load %arg8[%swap3A_218, %swap3A_219] {strides = array<i32>} : memref<4x128xi32, #tpu.memory_space<vmem>>, vector<1x16xi32>,
    %swap3A_221 = vector.shape_cast %swap3A_220 : vector<1x16xi32> to vector<16xi32>
    %swap3A_222 = vector.shape_cast %shift_right_arithmetic3A_216 : vector<16xi32> to vector<1x16xi32>
    tpu.vector_store %arg8[%swap3A_218, %swap3A_219], %swap3A_222 {strides = array<i32>} : memref<4x128xi32, #tpu.memory_space<vmem>>, vector<1x16xi32>,
    %shift_right_arithmetic3A_223 = arith.constant 1 : i32
    %shift_right_arithmetic3A_224 = vector.broadcast %shift_right_arithmetic3A_223 : i32 to vector<16xi32>
    %shift_right_arithmetic3A_225 = arith.shrsi %get3A_213, %shift_right_arithmetic3A_224 : vector<16xi32>
    %swap3A_226 = arith.constant 1 : i32
    %swap3A_227 = arith.index_cast %swap3A_226 : i32 to index
    %swap3A_228 = arith.constant 0 : index
    %swap3A_229 = tpu.vector_load %arg9[%swap3A_227, %swap3A_228] {strides = array<i32>} : memref<4x128xi32, #tpu.memory_space<vmem>>, vector<1x16xi32>,
    %swap3A_230 = vector.shape_cast %swap3A_229 : vector<1x16xi32> to vector<16xi32>
    %swap3A_231 = vector.shape_cast %shift_right_arithmetic3A_225 : vector<16xi32> to vector<1x16xi32>
    tpu.vector_store %arg9[%swap3A_227, %swap3A_228], %swap3A_231 {strides = array<i32>} : memref<4x128xi32, #tpu.memory_space<vmem>>, vector<1x16xi32>,
    %mul3A_232 = arith.constant 4 : i32
    %mul3A_233 = arith.muli %add3A, %mul3A_232 : i32
    %add3A_234 = arith.constant 1 : i32
    %add3A_235 = arith.addi %mul3A_233, %add3A_234 : i32
    %get3A_236 = arith.index_cast %add3A_235 : i32 to index
    %get3A_237 = arith.constant 16 : index
    %get3A_238 = tpu.vector_load %arg7[%get3A_236, %get3A_237] {strides = array<i32>} : memref<128x128xi32, #tpu.memory_space<vmem>>, vector<1x16xi32>,
    %get3A_239 = vector.shape_cast %get3A_238 : vector<1x16xi32> to vector<16xi32>
    %shift_right_arithmetic3A_240 = arith.constant 2 : i32
    %shift_right_arithmetic3A_241 = vector.broadcast %shift_right_arithmetic3A_240 : i32 to vector<16xi32>
    %shift_right_arithmetic3A_242 = arith.shrsi %get3A_239, %shift_right_arithmetic3A_241 : vector<16xi32>
    %swap3A_243 = arith.constant 1 : i32
    %swap3A_244 = arith.index_cast %swap3A_243 : i32 to index
    %swap3A_245 = arith.constant 16 : index
    %swap3A_246 = tpu.vector_load %arg8[%swap3A_244, %swap3A_245] {strides = array<i32>} : memref<4x128xi32, #tpu.memory_space<vmem>>, vector<1x16xi32>,
    %swap3A_247 = vector.shape_cast %swap3A_246 : vector<1x16xi32> to vector<16xi32>
    %swap3A_248 = vector.shape_cast %shift_right_arithmetic3A_242 : vector<16xi32> to vector<1x16xi32>
    tpu.vector_store %arg8[%swap3A_244, %swap3A_245], %swap3A_248 {strides = array<i32>} : memref<4x128xi32, #tpu.memory_space<vmem>>, vector<1x16xi32>,
    %shift_right_arithmetic3A_249 = arith.constant 1 : i32
    %shift_right_arithmetic3A_250 = vector.broadcast %shift_right_arithmetic3A_249 : i32 to vector<16xi32>
    %shift_right_arithmetic3A_251 = arith.shrsi %get3A_239, %shift_right_arithmetic3A_250 : vector<16xi32>
    %swap3A_252 = arith.constant 1 : i32
    %swap3A_253 = arith.index_cast %swap3A_252 : i32 to index
    %swap3A_254 = arith.constant 16 : index
    %swap3A_255 = tpu.vector_load %arg9[%swap3A_253, %swap3A_254] {strides = array<i32>} : memref<4x128xi32, #tpu.memory_space<vmem>>, vector<1x16xi32>,
    %swap3A_256 = vector.shape_cast %swap3A_255 : vector<1x16xi32> to vector<16xi32>
    %swap3A_257 = vector.shape_cast %shift_right_arithmetic3A_251 : vector<16xi32> to vector<1x16xi32>
    tpu.vector_store %arg9[%swap3A_253, %swap3A_254], %swap3A_257 {strides = array<i32>} : memref<4x128xi32, #tpu.memory_space<vmem>>, vector<1x16xi32>,
    %mul3A_258 = arith.constant 4 : i32
    %mul3A_259 = arith.muli %add3A, %mul3A_258 : i32
    %add3A_260 = arith.constant 1 : i32
    %add3A_261 = arith.addi %mul3A_259, %add3A_260 : i32
    %get3A_262 = arith.index_cast %add3A_261 : i32 to index
    %get3A_263 = arith.constant 32 : index
    %get3A_264 = tpu.vector_load %arg7[%get3A_262, %get3A_263] {strides = array<i32>} : memref<128x128xi32, #tpu.memory_space<vmem>>, vector<1x16xi32>,
    %get3A_265 = vector.shape_cast %get3A_264 : vector<1x16xi32> to vector<16xi32>
    %shift_right_arithmetic3A_266 = arith.constant 2 : i32
    %shift_right_arithmetic3A_267 = vector.broadcast %shift_right_arithmetic3A_266 : i32 to vector<16xi32>
    %shift_right_arithmetic3A_268 = arith.shrsi %get3A_265, %shift_right_arithmetic3A_267 : vector<16xi32>
    %swap3A_269 = arith.constant 1 : i32
    %swap3A_270 = arith.index_cast %swap3A_269 : i32 to index
    %swap3A_271 = arith.constant 32 : index
    %swap3A_272 = tpu.vector_load %arg8[%swap3A_270, %swap3A_271] {strides = array<i32>} : memref<4x128xi32, #tpu.memory_space<vmem>>, vector<1x16xi32>,
    %swap3A_273 = vector.shape_cast %swap3A_272 : vector<1x16xi32> to vector<16xi32>
    %swap3A_274 = vector.shape_cast %shift_right_arithmetic3A_268 : vector<16xi32> to vector<1x16xi32>
    tpu.vector_store %arg8[%swap3A_270, %swap3A_271], %swap3A_274 {strides = array<i32>} : memref<4x128xi32, #tpu.memory_space<vmem>>, vector<1x16xi32>,
    %shift_right_arithmetic3A_275 = arith.constant 1 : i32
    %shift_right_arithmetic3A_276 = vector.broadcast %shift_right_arithmetic3A_275 : i32 to vector<16xi32>
    %shift_right_arithmetic3A_277 = arith.shrsi %get3A_265, %shift_right_arithmetic3A_276 : vector<16xi32>
    %swap3A_278 = arith.constant 1 : i32
    %swap3A_279 = arith.index_cast %swap3A_278 : i32 to index
    %swap3A_280 = arith.constant 32 : index
    %swap3A_281 = tpu.vector_load %arg9[%swap3A_279, %swap3A_280] {strides = array<i32>} : memref<4x128xi32, #tpu.memory_space<vmem>>, vector<1x16xi32>,
    %swap3A_282 = vector.shape_cast %swap3A_281 : vector<1x16xi32> to vector<16xi32>
    %swap3A_283 = vector.shape_cast %shift_right_arithmetic3A_277 : vector<16xi32> to vector<1x16xi32>
    tpu.vector_store %arg9[%swap3A_279, %swap3A_280], %swap3A_283 {strides = array<i32>} : memref<4x128xi32, #tpu.memory_space<vmem>>, vector<1x16xi32>,
    %mul3A_284 = arith.constant 4 : i32
    %mul3A_285 = arith.muli %add3A, %mul3A_284 : i32
    %add3A_286 = arith.constant 1 : i32
    %add3A_287 = arith.addi %mul3A_285, %add3A_286 : i32
    %get3A_288 = arith.index_cast %add3A_287 : i32 to index
    %get3A_289 = arith.constant 48 : index
    %get3A_290 = tpu.vector_load %arg7[%get3A_288, %get3A_289] {strides = array<i32>} : memref<128x128xi32, #tpu.memory_space<vmem>>, vector<1x16xi32>,
    %get3A_291 = vector.shape_cast %get3A_290 : vector<1x16xi32> to vector<16xi32>
    %shift_right_arithmetic3A_292 = arith.constant 2 : i32
    %shift_right_arithmetic3A_293 = vector.broadcast %shift_right_arithmetic3A_292 : i32 to vector<16xi32>
    %shift_right_arithmetic3A_294 = arith.shrsi %get3A_291, %shift_right_arithmetic3A_293 : vector<16xi32>
    %swap3A_295 = arith.constant 1 : i32
    %swap3A_296 = arith.index_cast %swap3A_295 : i32 to index
    %swap3A_297 = arith.constant 48 : index
    %swap3A_298 = tpu.vector_load %arg8[%swap3A_296, %swap3A_297] {strides = array<i32>} : memref<4x128xi32, #tpu.memory_space<vmem>>, vector<1x16xi32>,
    %swap3A_299 = vector.shape_cast %swap3A_298 : vector<1x16xi32> to vector<16xi32>
    %swap3A_300 = vector.shape_cast %shift_right_arithmetic3A_294 : vector<16xi32> to vector<1x16xi32>
    tpu.vector_store %arg8[%swap3A_296, %swap3A_297], %swap3A_300 {strides = array<i32>} : memref<4x128xi32, #tpu.memory_space<vmem>>, vector<1x16xi32>,
    %shift_right_arithmetic3A_301 = arith.constant 1 : i32
    %shift_right_arithmetic3A_302 = vector.broadcast %shift_right_arithmetic3A_301 : i32 to vector<16xi32>
    %shift_right_arithmetic3A_303 = arith.shrsi %get3A_291, %shift_right_arithmetic3A_302 : vector<16xi32>
    %swap3A_304 = arith.constant 1 : i32
    %swap3A_305 = arith.index_cast %swap3A_304 : i32 to index
    %swap3A_306 = arith.constant 48 : index
    %swap3A_307 = tpu.vector_load %arg9[%swap3A_305, %swap3A_306] {strides = array<i32>} : memref<4x128xi32, #tpu.memory_space<vmem>>, vector<1x16xi32>,
    %swap3A_308 = vector.shape_cast %swap3A_307 : vector<1x16xi32> to vector<16xi32>
    %swap3A_309 = vector.shape_cast %shift_right_arithmetic3A_303 : vector<16xi32> to vector<1x16xi32>
    tpu.vector_store %arg9[%swap3A_305, %swap3A_306], %swap3A_309 {strides = array<i32>} : memref<4x128xi32, #tpu.memory_space<vmem>>, vector<1x16xi32>,
    %mul3A_310 = arith.constant 4 : i32
    %mul3A_311 = arith.muli %add3A, %mul3A_310 : i32
    %add3A_312 = arith.constant 1 : i32
    %add3A_313 = arith.addi %mul3A_311, %add3A_312 : i32
    %get3A_314 = arith.index_cast %add3A_313 : i32 to index
    %get3A_315 = arith.constant 64 : index
    %get3A_316 = tpu.vector_load %arg7[%get3A_314, %get3A_315] {strides = array<i32>} : memref<128x128xi32, #tpu.memory_space<vmem>>, vector<1x16xi32>,
    %get3A_317 = vector.shape_cast %get3A_316 : vector<1x16xi32> to vector<16xi32>
    %shift_right_arithmetic3A_318 = arith.constant 2 : i32
    %shift_right_arithmetic3A_319 = vector.broadcast %shift_right_arithmetic3A_318 : i32 to vector<16xi32>
    %shift_right_arithmetic3A_320 = arith.shrsi %get3A_317, %shift_right_arithmetic3A_319 : vector<16xi32>
    %swap3A_321 = arith.constant 1 : i32
    %swap3A_322 = arith.index_cast %swap3A_321 : i32 to index
    %swap3A_323 = arith.constant 64 : index
    %swap3A_324 = tpu.vector_load %arg8[%swap3A_322, %swap3A_323] {strides = array<i32>} : memref<4x128xi32, #tpu.memory_space<vmem>>, vector<1x16xi32>,
    %swap3A_325 = vector.shape_cast %swap3A_324 : vector<1x16xi32> to vector<16xi32>
    %swap3A_326 = vector.shape_cast %shift_right_arithmetic3A_320 : vector<16xi32> to vector<1x16xi32>
    tpu.vector_store %arg8[%swap3A_322, %swap3A_323], %swap3A_326 {strides = array<i32>} : memref<4x128xi32, #tpu.memory_space<vmem>>, vector<1x16xi32>,
    %shift_right_arithmetic3A_327 = arith.constant 1 : i32
    %shift_right_arithmetic3A_328 = vector.broadcast %shift_right_arithmetic3A_327 : i32 to vector<16xi32>
    %shift_right_arithmetic3A_329 = arith.shrsi %get3A_317, %shift_right_arithmetic3A_328 : vector<16xi32>
    %swap3A_330 = arith.constant 1 : i32
    %swap3A_331 = arith.index_cast %swap3A_330 : i32 to index
    %swap3A_332 = arith.constant 64 : index
    %swap3A_333 = tpu.vector_load %arg9[%swap3A_331, %swap3A_332] {strides = array<i32>} : memref<4x128xi32, #tpu.memory_space<vmem>>, vector<1x16xi32>,
    %swap3A_334 = vector.shape_cast %swap3A_333 : vector<1x16xi32> to vector<16xi32>
    %swap3A_335 = vector.shape_cast %shift_right_arithmetic3A_329 : vector<16xi32> to vector<1x16xi32>
    tpu.vector_store %arg9[%swap3A_331, %swap3A_332], %swap3A_335 {strides = array<i32>} : memref<4x128xi32, #tpu.memory_space<vmem>>, vector<1x16xi32>,
    %mul3A_336 = arith.constant 4 : i32
    %mul3A_337 = arith.muli %add3A, %mul3A_336 : i32
    %add3A_338 = arith.constant 1 : i32
    %add3A_339 = arith.addi %mul3A_337, %add3A_338 : i32
    %get3A_340 = arith.index_cast %add3A_339 : i32 to index
    %get3A_341 = arith.constant 80 : index
    %get3A_342 = tpu.vector_load %arg7[%get3A_340, %get3A_341] {strides = array<i32>} : memref<128x128xi32, #tpu.memory_space<vmem>>, vector<1x16xi32>,
    %get3A_343 = vector.shape_cast %get3A_342 : vector<1x16xi32> to vector<16xi32>
    %shift_right_arithmetic3A_344 = arith.constant 2 : i32
    %shift_right_arithmetic3A_345 = vector.broadcast %shift_right_arithmetic3A_344 : i32 to vector<16xi32>
    %shift_right_arithmetic3A_346 = arith.shrsi %get3A_343, %shift_right_arithmetic3A_345 : vector<16xi32>
    %swap3A_347 = arith.constant 1 : i32
    %swap3A_348 = arith.index_cast %swap3A_347 : i32 to index
    %swap3A_349 = arith.constant 80 : index
    %swap3A_350 = tpu.vector_load %arg8[%swap3A_348, %swap3A_349] {strides = array<i32>} : memref<4x128xi32, #tpu.memory_space<vmem>>, vector<1x16xi32>,
    %swap3A_351 = vector.shape_cast %swap3A_350 : vector<1x16xi32> to vector<16xi32>
    %swap3A_352 = vector.shape_cast %shift_right_arithmetic3A_346 : vector<16xi32> to vector<1x16xi32>
    tpu.vector_store %arg8[%swap3A_348, %swap3A_349], %swap3A_352 {strides = array<i32>} : memref<4x128xi32, #tpu.memory_space<vmem>>, vector<1x16xi32>,
    %shift_right_arithmetic3A_353 = arith.constant 1 : i32
    %shift_right_arithmetic3A_354 = vector.broadcast %shift_right_arithmetic3A_353 : i32 to vector<16xi32>
    %shift_right_arithmetic3A_355 = arith.shrsi %get3A_343, %shift_right_arithmetic3A_354 : vector<16xi32>
    %swap3A_356 = arith.constant 1 : i32
    %swap3A_357 = arith.index_cast %swap3A_356 : i32 to index
    %swap3A_358 = arith.constant 80 : index
    %swap3A_359 = tpu.vector_load %arg9[%swap3A_357, %swap3A_358] {strides = array<i32>} : memref<4x128xi32, #tpu.memory_space<vmem>>, vector<1x16xi32>,
    %swap3A_360 = vector.shape_cast %swap3A_359 : vector<1x16xi32> to vector<16xi32>
    %swap3A_361 = vector.shape_cast %shift_right_arithmetic3A_355 : vector<16xi32> to vector<1x16xi32>
    tpu.vector_store %arg9[%swap3A_357, %swap3A_358], %swap3A_361 {strides = array<i32>} : memref<4x128xi32, #tpu.memory_space<vmem>>, vector<1x16xi32>,
    %mul3A_362 = arith.constant 4 : i32
    %mul3A_363 = arith.muli %add3A, %mul3A_362 : i32
    %add3A_364 = arith.constant 1 : i32
    %add3A_365 = arith.addi %mul3A_363, %add3A_364 : i32
    %get3A_366 = arith.index_cast %add3A_365 : i32 to index
    %get3A_367 = arith.constant 96 : index
    %get3A_368 = tpu.vector_load %arg7[%get3A_366, %get3A_367] {strides = array<i32>} : memref<128x128xi32, #tpu.memory_space<vmem>>, vector<1x16xi32>,
    %get3A_369 = vector.shape_cast %get3A_368 : vector<1x16xi32> to vector<16xi32>
    %shift_right_arithmetic3A_370 = arith.constant 2 : i32
    %shift_right_arithmetic3A_371 = vector.broadcast %shift_right_arithmetic3A_370 : i32 to vector<16xi32>
    %shift_right_arithmetic3A_372 = arith.shrsi %get3A_369, %shift_right_arithmetic3A_371 : vector<16xi32>
    %swap3A_373 = arith.constant 1 : i32
    %swap3A_374 = arith.index_cast %swap3A_373 : i32 to index
    %swap3A_375 = arith.constant 96 : index
    %swap3A_376 = tpu.vector_load %arg8[%swap3A_374, %swap3A_375] {strides = array<i32>} : memref<4x128xi32, #tpu.memory_space<vmem>>, vector<1x16xi32>,
    %swap3A_377 = vector.shape_cast %swap3A_376 : vector<1x16xi32> to vector<16xi32>
    %swap3A_378 = vector.shape_cast %shift_right_arithmetic3A_372 : vector<16xi32> to vector<1x16xi32>
    tpu.vector_store %arg8[%swap3A_374, %swap3A_375], %swap3A_378 {strides = array<i32>} : memref<4x128xi32, #tpu.memory_space<vmem>>, vector<1x16xi32>,
    %shift_right_arithmetic3A_379 = arith.constant 1 : i32
    %shift_right_arithmetic3A_380 = vector.broadcast %shift_right_arithmetic3A_379 : i32 to vector<16xi32>
    %shift_right_arithmetic3A_381 = arith.shrsi %get3A_369, %shift_right_arithmetic3A_380 : vector<16xi32>
    %swap3A_382 = arith.constant 1 : i32
    %swap3A_383 = arith.index_cast %swap3A_382 : i32 to index
    %swap3A_384 = arith.constant 96 : index
    %swap3A_385 = tpu.vector_load %arg9[%swap3A_383, %swap3A_384] {strides = array<i32>} : memref<4x128xi32, #tpu.memory_space<vmem>>, vector<1x16xi32>,
    %swap3A_386 = vector.shape_cast %swap3A_385 : vector<1x16xi32> to vector<16xi32>
    %swap3A_387 = vector.shape_cast %shift_right_arithmetic3A_381 : vector<16xi32> to vector<1x16xi32>
    tpu.vector_store %arg9[%swap3A_383, %swap3A_384], %swap3A_387 {strides = array<i32>} : memref<4x128xi32, #tpu.memory_space<vmem>>, vector<1x16xi32>,
    %mul3A_388 = arith.constant 4 : i32
    %mul3A_389 = arith.muli %add3A, %mul3A_388 : i32
    %add3A_390 = arith.constant 1 : i32
    %add3A_391 = arith.addi %mul3A_389, %add3A_390 : i32
    %get3A_392 = arith.index_cast %add3A_391 : i32 to index
    %get3A_393 = arith.constant 112 : index
    %get3A_394 = tpu.vector_load %arg7[%get3A_392, %get3A_393] {strides = array<i32>} : memref<128x128xi32, #tpu.memory_space<vmem>>, vector<1x16xi32>,
    %get3A_395 = vector.shape_cast %get3A_394 : vector<1x16xi32> to vector<16xi32>
    %shift_right_arithmetic3A_396 = arith.constant 2 : i32
    %shift_right_arithmetic3A_397 = vector.broadcast %shift_right_arithmetic3A_396 : i32 to vector<16xi32>
    %shift_right_arithmetic3A_398 = arith.shrsi %get3A_395, %shift_right_arithmetic3A_397 : vector<16xi32>
    %swap3A_399 = arith.constant 1 : i32
    %swap3A_400 = arith.index_cast %swap3A_399 : i32 to index
    %swap3A_401 = arith.constant 112 : index
    %swap3A_402 = tpu.vector_load %arg8[%swap3A_400, %swap3A_401] {strides = array<i32>} : memref<4x128xi32, #tpu.memory_space<vmem>>, vector<1x16xi32>,
    %swap3A_403 = vector.shape_cast %swap3A_402 : vector<1x16xi32> to vector<16xi32>
    %swap3A_404 = vector.shape_cast %shift_right_arithmetic3A_398 : vector<16xi32> to vector<1x16xi32>
    tpu.vector_store %arg8[%swap3A_400, %swap3A_401], %swap3A_404 {strides = array<i32>} : memref<4x128xi32, #tpu.memory_space<vmem>>, vector<1x16xi32>,
    %shift_right_arithmetic3A_405 = arith.constant 1 : i32
    %shift_right_arithmetic3A_406 = vector.broadcast %shift_right_arithmetic3A_405 : i32 to vector<16xi32>
    %shift_right_arithmetic3A_407 = arith.shrsi %get3A_395, %shift_right_arithmetic3A_406 : vector<16xi32>
    %swap3A_408 = arith.constant 1 : i32
    %swap3A_409 = arith.index_cast %swap3A_408 : i32 to index
    %swap3A_410 = arith.constant 112 : index
    %swap3A_411 = tpu.vector_load %arg9[%swap3A_409, %swap3A_410] {strides = array<i32>} : memref<4x128xi32, #tpu.memory_space<vmem>>, vector<1x16xi32>,
    %swap3A_412 = vector.shape_cast %swap3A_411 : vector<1x16xi32> to vector<16xi32>
    %swap3A_413 = vector.shape_cast %shift_right_arithmetic3A_407 : vector<16xi32> to vector<1x16xi32>
    tpu.vector_store %arg9[%swap3A_409, %swap3A_410], %swap3A_413 {strides = array<i32>} : memref<4x128xi32, #tpu.memory_space<vmem>>, vector<1x16xi32>,
    %mul3A_414 = arith.constant 4 : i32
    %mul3A_415 = arith.muli %add3A, %mul3A_414 : i32
    %add3A_416 = arith.constant 2 : i32
    %add3A_417 = arith.addi %mul3A_415, %add3A_416 : i32
    %get3A_418 = arith.index_cast %add3A_417 : i32 to index
    %get3A_419 = arith.constant 0 : index
    %get3A_420 = tpu.vector_load %arg7[%get3A_418, %get3A_419] {strides = array<i32>} : memref<128x128xi32, #tpu.memory_space<vmem>>, vector<1x16xi32>,
    %get3A_421 = vector.shape_cast %get3A_420 : vector<1x16xi32> to vector<16xi32>
    %shift_right_arithmetic3A_422 = arith.constant 2 : i32
    %shift_right_arithmetic3A_423 = vector.broadcast %shift_right_arithmetic3A_422 : i32 to vector<16xi32>
    %shift_right_arithmetic3A_424 = arith.shrsi %get3A_421, %shift_right_arithmetic3A_423 : vector<16xi32>
    %swap3A_425 = arith.constant 2 : i32
    %swap3A_426 = arith.index_cast %swap3A_425 : i32 to index
    %swap3A_427 = arith.constant 0 : index
    %swap3A_428 = tpu.vector_load %arg8[%swap3A_426, %swap3A_427] {strides = array<i32>} : memref<4x128xi32, #tpu.memory_space<vmem>>, vector<1x16xi32>,
    %swap3A_429 = vector.shape_cast %swap3A_428 : vector<1x16xi32> to vector<16xi32>
    %swap3A_430 = vector.shape_cast %shift_right_arithmetic3A_424 : vector<16xi32> to vector<1x16xi32>
    tpu.vector_store %arg8[%swap3A_426, %swap3A_427], %swap3A_430 {strides = array<i32>} : memref<4x128xi32, #tpu.memory_space<vmem>>, vector<1x16xi32>,
    %shift_right_arithmetic3A_431 = arith.constant 1 : i32
    %shift_right_arithmetic3A_432 = vector.broadcast %shift_right_arithmetic3A_431 : i32 to vector<16xi32>
    %shift_right_arithmetic3A_433 = arith.shrsi %get3A_421, %shift_right_arithmetic3A_432 : vector<16xi32>
    %swap3A_434 = arith.constant 2 : i32
    %swap3A_435 = arith.index_cast %swap3A_434 : i32 to index
    %swap3A_436 = arith.constant 0 : index
    %swap3A_437 = tpu.vector_load %arg9[%swap3A_435, %swap3A_436] {strides = array<i32>} : memref<4x128xi32, #tpu.memory_space<vmem>>, vector<1x16xi32>,
    %swap3A_438 = vector.shape_cast %swap3A_437 : vector<1x16xi32> to vector<16xi32>
    %swap3A_439 = vector.shape_cast %shift_right_arithmetic3A_433 : vector<16xi32> to vector<1x16xi32>
    tpu.vector_store %arg9[%swap3A_435, %swap3A_436], %swap3A_439 {strides = array<i32>} : memref<4x128xi32, #tpu.memory_space<vmem>>, vector<1x16xi32>,
    %mul3A_440 = arith.constant 4 : i32
    %mul3A_441 = arith.muli %add3A, %mul3A_440 : i32
    %add3A_442 = arith.constant 2 : i32
    %add3A_443 = arith.addi %mul3A_441, %add3A_442 : i32
    %get3A_444 = arith.index_cast %add3A_443 : i32 to index
    %get3A_445 = arith.constant 16 : index
    %get3A_446 = tpu.vector_load %arg7[%get3A_444, %get3A_445] {strides = array<i32>} : memref<128x128xi32, #tpu.memory_space<vmem>>, vector<1x16xi32>,
    %get3A_447 = vector.shape_cast %get3A_446 : vector<1x16xi32> to vector<16xi32>
    %shift_right_arithmetic3A_448 = arith.constant 2 : i32
    %shift_right_arithmetic3A_449 = vector.broadcast %shift_right_arithmetic3A_448 : i32 to vector<16xi32>
    %shift_right_arithmetic3A_450 = arith.shrsi %get3A_447, %shift_right_arithmetic3A_449 : vector<16xi32>
    %swap3A_451 = arith.constant 2 : i32
    %swap3A_452 = arith.index_cast %swap3A_451 : i32 to index
    %swap3A_453 = arith.constant 16 : index
    %swap3A_454 = tpu.vector_load %arg8[%swap3A_452, %swap3A_453] {strides = array<i32>} : memref<4x128xi32, #tpu.memory_space<vmem>>, vector<1x16xi32>,
    %swap3A_455 = vector.shape_cast %swap3A_454 : vector<1x16xi32> to vector<16xi32>
    %swap3A_456 = vector.shape_cast %shift_right_arithmetic3A_450 : vector<16xi32> to vector<1x16xi32>
    tpu.vector_store %arg8[%swap3A_452, %swap3A_453], %swap3A_456 {strides = array<i32>} : memref<4x128xi32, #tpu.memory_space<vmem>>, vector<1x16xi32>,
    %shift_right_arithmetic3A_457 = arith.constant 1 : i32
    %shift_right_arithmetic3A_458 = vector.broadcast %shift_right_arithmetic3A_457 : i32 to vector<16xi32>
    %shift_right_arithmetic3A_459 = arith.shrsi %get3A_447, %shift_right_arithmetic3A_458 : vector<16xi32>
    %swap3A_460 = arith.constant 2 : i32
    %swap3A_461 = arith.index_cast %swap3A_460 : i32 to index
    %swap3A_462 = arith.constant 16 : index
    %swap3A_463 = tpu.vector_load %arg9[%swap3A_461, %swap3A_462] {strides = array<i32>} : memref<4x128xi32, #tpu.memory_space<vmem>>, vector<1x16xi32>,
    %swap3A_464 = vector.shape_cast %swap3A_463 : vector<1x16xi32> to vector<16xi32>
    %swap3A_465 = vector.shape_cast %shift_right_arithmetic3A_459 : vector<16xi32> to vector<1x16xi32>
    tpu.vector_store %arg9[%swap3A_461, %swap3A_462], %swap3A_465 {strides = array<i32>} : memref<4x128xi32, #tpu.memory_space<vmem>>, vector<1x16xi32>,
    %mul3A_466 = arith.constant 4 : i32
    %mul3A_467 = arith.muli %add3A, %mul3A_466 : i32
    %add3A_468 = arith.constant 2 : i32
    %add3A_469 = arith.addi %mul3A_467, %add3A_468 : i32
    %get3A_470 = arith.index_cast %add3A_469 : i32 to index
    %get3A_471 = arith.constant 32 : index
    %get3A_472 = tpu.vector_load %arg7[%get3A_470, %get3A_471] {strides = array<i32>} : memref<128x128xi32, #tpu.memory_space<vmem>>, vector<1x16xi32>,
    %get3A_473 = vector.shape_cast %get3A_472 : vector<1x16xi32> to vector<16xi32>
    %shift_right_arithmetic3A_474 = arith.constant 2 : i32
    %shift_right_arithmetic3A_475 = vector.broadcast %shift_right_arithmetic3A_474 : i32 to vector<16xi32>
    %shift_right_arithmetic3A_476 = arith.shrsi %get3A_473, %shift_right_arithmetic3A_475 : vector<16xi32>
    %swap3A_477 = arith.constant 2 : i32
    %swap3A_478 = arith.index_cast %swap3A_477 : i32 to index
    %swap3A_479 = arith.constant 32 : index
    %swap3A_480 = tpu.vector_load %arg8[%swap3A_478, %swap3A_479] {strides = array<i32>} : memref<4x128xi32, #tpu.memory_space<vmem>>, vector<1x16xi32>,
    %swap3A_481 = vector.shape_cast %swap3A_480 : vector<1x16xi32> to vector<16xi32>
    %swap3A_482 = vector.shape_cast %shift_right_arithmetic3A_476 : vector<16xi32> to vector<1x16xi32>
    tpu.vector_store %arg8[%swap3A_478, %swap3A_479], %swap3A_482 {strides = array<i32>} : memref<4x128xi32, #tpu.memory_space<vmem>>, vector<1x16xi32>,
    %shift_right_arithmetic3A_483 = arith.constant 1 : i32
    %shift_right_arithmetic3A_484 = vector.broadcast %shift_right_arithmetic3A_483 : i32 to vector<16xi32>
    %shift_right_arithmetic3A_485 = arith.shrsi %get3A_473, %shift_right_arithmetic3A_484 : vector<16xi32>
    %swap3A_486 = arith.constant 2 : i32
    %swap3A_487 = arith.index_cast %swap3A_486 : i32 to index
    %swap3A_488 = arith.constant 32 : index
    %swap3A_489 = tpu.vector_load %arg9[%swap3A_487, %swap3A_488] {strides = array<i32>} : memref<4x128xi32, #tpu.memory_space<vmem>>, vector<1x16xi32>,
    %swap3A_490 = vector.shape_cast %swap3A_489 : vector<1x16xi32> to vector<16xi32>
    %swap3A_491 = vector.shape_cast %shift_right_arithmetic3A_485 : vector<16xi32> to vector<1x16xi32>
    tpu.vector_store %arg9[%swap3A_487, %swap3A_488], %swap3A_491 {strides = array<i32>} : memref<4x128xi32, #tpu.memory_space<vmem>>, vector<1x16xi32>,
    %mul3A_492 = arith.constant 4 : i32
    %mul3A_493 = arith.muli %add3A, %mul3A_492 : i32
    %add3A_494 = arith.constant 2 : i32
    %add3A_495 = arith.addi %mul3A_493, %add3A_494 : i32
    %get3A_496 = arith.index_cast %add3A_495 : i32 to index
    %get3A_497 = arith.constant 48 : index
    %get3A_498 = tpu.vector_load %arg7[%get3A_496, %get3A_497] {strides = array<i32>} : memref<128x128xi32, #tpu.memory_space<vmem>>, vector<1x16xi32>,
    %get3A_499 = vector.shape_cast %get3A_498 : vector<1x16xi32> to vector<16xi32>
    %shift_right_arithmetic3A_500 = arith.constant 2 : i32
    %shift_right_arithmetic3A_501 = vector.broadcast %shift_right_arithmetic3A_500 : i32 to vector<16xi32>
    %shift_right_arithmetic3A_502 = arith.shrsi %get3A_499, %shift_right_arithmetic3A_501 : vector<16xi32>
    %swap3A_503 = arith.constant 2 : i32
    %swap3A_504 = arith.index_cast %swap3A_503 : i32 to index
    %swap3A_505 = arith.constant 48 : index
    %swap3A_506 = tpu.vector_load %arg8[%swap3A_504, %swap3A_505] {strides = array<i32>} : memref<4x128xi32, #tpu.memory_space<vmem>>, vector<1x16xi32>,
    %swap3A_507 = vector.shape_cast %swap3A_506 : vector<1x16xi32> to vector<16xi32>
    %swap3A_508 = vector.shape_cast %shift_right_arithmetic3A_502 : vector<16xi32> to vector<1x16xi32>
    tpu.vector_store %arg8[%swap3A_504, %swap3A_505], %swap3A_508 {strides = array<i32>} : memref<4x128xi32, #tpu.memory_space<vmem>>, vector<1x16xi32>,
    %shift_right_arithmetic3A_509 = arith.constant 1 : i32
    %shift_right_arithmetic3A_510 = vector.broadcast %shift_right_arithmetic3A_509 : i32 to vector<16xi32>
    %shift_right_arithmetic3A_511 = arith.shrsi %get3A_499, %shift_right_arithmetic3A_510 : vector<16xi32>
    %swap3A_512 = arith.constant 2 : i32
    %swap3A_513 = arith.index_cast %swap3A_512 : i32 to index
    %swap3A_514 = arith.constant 48 : index
    %swap3A_515 = tpu.vector_load %arg9[%swap3A_513, %swap3A_514] {strides = array<i32>} : memref<4x128xi32, #tpu.memory_space<vmem>>, vector<1x16xi32>,
    %swap3A_516 = vector.shape_cast %swap3A_515 : vector<1x16xi32> to vector<16xi32>
    %swap3A_517 = vector.shape_cast %shift_right_arithmetic3A_511 : vector<16xi32> to vector<1x16xi32>
    tpu.vector_store %arg9[%swap3A_513, %swap3A_514], %swap3A_517 {strides = array<i32>} : memref<4x128xi32, #tpu.memory_space<vmem>>, vector<1x16xi32>,
    %mul3A_518 = arith.constant 4 : i32
    %mul3A_519 = arith.muli %add3A, %mul3A_518 : i32
    %add3A_520 = arith.constant 2 : i32
    %add3A_521 = arith.addi %mul3A_519, %add3A_520 : i32
    %get3A_522 = arith.index_cast %add3A_521 : i32 to index
    %get3A_523 = arith.constant 64 : index
    %get3A_524 = tpu.vector_load %arg7[%get3A_522, %get3A_523] {strides = array<i32>} : memref<128x128xi32, #tpu.memory_space<vmem>>, vector<1x16xi32>,
    %get3A_525 = vector.shape_cast %get3A_524 : vector<1x16xi32> to vector<16xi32>
    %shift_right_arithmetic3A_526 = arith.constant 2 : i32
    %shift_right_arithmetic3A_527 = vector.broadcast %shift_right_arithmetic3A_526 : i32 to vector<16xi32>
    %shift_right_arithmetic3A_528 = arith.shrsi %get3A_525, %shift_right_arithmetic3A_527 : vector<16xi32>
    %swap3A_529 = arith.constant 2 : i32
    %swap3A_530 = arith.index_cast %swap3A_529 : i32 to index
    %swap3A_531 = arith.constant 64 : index
    %swap3A_532 = tpu.vector_load %arg8[%swap3A_530, %swap3A_531] {strides = array<i32>} : memref<4x128xi32, #tpu.memory_space<vmem>>, vector<1x16xi32>,
    %swap3A_533 = vector.shape_cast %swap3A_532 : vector<1x16xi32> to vector<16xi32>
    %swap3A_534 = vector.shape_cast %shift_right_arithmetic3A_528 : vector<16xi32> to vector<1x16xi32>
    tpu.vector_store %arg8[%swap3A_530, %swap3A_531], %swap3A_534 {strides = array<i32>} : memref<4x128xi32, #tpu.memory_space<vmem>>, vector<1x16xi32>,
    %shift_right_arithmetic3A_535 = arith.constant 1 : i32
    %shift_right_arithmetic3A_536 = vector.broadcast %shift_right_arithmetic3A_535 : i32 to vector<16xi32>
    %shift_right_arithmetic3A_537 = arith.shrsi %get3A_525, %shift_right_arithmetic3A_536 : vector<16xi32>
    %swap3A_538 = arith.constant 2 : i32
    %swap3A_539 = arith.index_cast %swap3A_538 : i32 to index
    %swap3A_540 = arith.constant 64 : index
    %swap3A_541 = tpu.vector_load %arg9[%swap3A_539, %swap3A_540] {strides = array<i32>} : memref<4x128xi32, #tpu.memory_space<vmem>>, vector<1x16xi32>,
    %swap3A_542 = vector.shape_cast %swap3A_541 : vector<1x16xi32> to vector<16xi32>
    %swap3A_543 = vector.shape_cast %shift_right_arithmetic3A_537 : vector<16xi32> to vector<1x16xi32>
    tpu.vector_store %arg9[%swap3A_539, %swap3A_540], %swap3A_543 {strides = array<i32>} : memref<4x128xi32, #tpu.memory_space<vmem>>, vector<1x16xi32>,
    %mul3A_544 = arith.constant 4 : i32
    %mul3A_545 = arith.muli %add3A, %mul3A_544 : i32
    %add3A_546 = arith.constant 2 : i32
    %add3A_547 = arith.addi %mul3A_545, %add3A_546 : i32
    %get3A_548 = arith.index_cast %add3A_547 : i32 to index
    %get3A_549 = arith.constant 80 : index
    %get3A_550 = tpu.vector_load %arg7[%get3A_548, %get3A_549] {strides = array<i32>} : memref<128x128xi32, #tpu.memory_space<vmem>>, vector<1x16xi32>,
    %get3A_551 = vector.shape_cast %get3A_550 : vector<1x16xi32> to vector<16xi32>
    %shift_right_arithmetic3A_552 = arith.constant 2 : i32
    %shift_right_arithmetic3A_553 = vector.broadcast %shift_right_arithmetic3A_552 : i32 to vector<16xi32>
    %shift_right_arithmetic3A_554 = arith.shrsi %get3A_551, %shift_right_arithmetic3A_553 : vector<16xi32>
    %swap3A_555 = arith.constant 2 : i32
    %swap3A_556 = arith.index_cast %swap3A_555 : i32 to index
    %swap3A_557 = arith.constant 80 : index
    %swap3A_558 = tpu.vector_load %arg8[%swap3A_556, %swap3A_557] {strides = array<i32>} : memref<4x128xi32, #tpu.memory_space<vmem>>, vector<1x16xi32>,
    %swap3A_559 = vector.shape_cast %swap3A_558 : vector<1x16xi32> to vector<16xi32>
    %swap3A_560 = vector.shape_cast %shift_right_arithmetic3A_554 : vector<16xi32> to vector<1x16xi32>
    tpu.vector_store %arg8[%swap3A_556, %swap3A_557], %swap3A_560 {strides = array<i32>} : memref<4x128xi32, #tpu.memory_space<vmem>>, vector<1x16xi32>,
    %shift_right_arithmetic3A_561 = arith.constant 1 : i32
    %shift_right_arithmetic3A_562 = vector.broadcast %shift_right_arithmetic3A_561 : i32 to vector<16xi32>
    %shift_right_arithmetic3A_563 = arith.shrsi %get3A_551, %shift_right_arithmetic3A_562 : vector<16xi32>
    %swap3A_564 = arith.constant 2 : i32
    %swap3A_565 = arith.index_cast %swap3A_564 : i32 to index
    %swap3A_566 = arith.constant 80 : index
    %swap3A_567 = tpu.vector_load %arg9[%swap3A_565, %swap3A_566] {strides = array<i32>} : memref<4x128xi32, #tpu.memory_space<vmem>>, vector<1x16xi32>,
    %swap3A_568 = vector.shape_cast %swap3A_567 : vector<1x16xi32> to vector<16xi32>
    %swap3A_569 = vector.shape_cast %shift_right_arithmetic3A_563 : vector<16xi32> to vector<1x16xi32>
    tpu.vector_store %arg9[%swap3A_565, %swap3A_566], %swap3A_569 {strides = array<i32>} : memref<4x128xi32, #tpu.memory_space<vmem>>, vector<1x16xi32>,
    %mul3A_570 = arith.constant 4 : i32
    %mul3A_571 = arith.muli %add3A, %mul3A_570 : i32
    %add3A_572 = arith.constant 2 : i32
    %add3A_573 = arith.addi %mul3A_571, %add3A_572 : i32
    %get3A_574 = arith.index_cast %add3A_573 : i32 to index
    %get3A_575 = arith.constant 96 : index
    %get3A_576 = tpu.vector_load %arg7[%get3A_574, %get3A_575] {strides = array<i32>} : memref<128x128xi32, #tpu.memory_space<vmem>>, vector<1x16xi32>,
    %get3A_577 = vector.shape_cast %get3A_576 : vector<1x16xi32> to vector<16xi32>
    %shift_right_arithmetic3A_578 = arith.constant 2 : i32
    %shift_right_arithmetic3A_579 = vector.broadcast %shift_right_arithmetic3A_578 : i32 to vector<16xi32>
    %shift_right_arithmetic3A_580 = arith.shrsi %get3A_577, %shift_right_arithmetic3A_579 : vector<16xi32>
    %swap3A_581 = arith.constant 2 : i32
    %swap3A_582 = arith.index_cast %swap3A_581 : i32 to index
    %swap3A_583 = arith.constant 96 : index
    %swap3A_584 = tpu.vector_load %arg8[%swap3A_582, %swap3A_583] {strides = array<i32>} : memref<4x128xi32, #tpu.memory_space<vmem>>, vector<1x16xi32>,
    %swap3A_585 = vector.shape_cast %swap3A_584 : vector<1x16xi32> to vector<16xi32>
    %swap3A_586 = vector.shape_cast %shift_right_arithmetic3A_580 : vector<16xi32> to vector<1x16xi32>
    tpu.vector_store %arg8[%swap3A_582, %swap3A_583], %swap3A_586 {strides = array<i32>} : memref<4x128xi32, #tpu.memory_space<vmem>>, vector<1x16xi32>,
    %shift_right_arithmetic3A_587 = arith.constant 1 : i32
    %shift_right_arithmetic3A_588 = vector.broadcast %shift_right_arithmetic3A_587 : i32 to vector<16xi32>
    %shift_right_arithmetic3A_589 = arith.shrsi %get3A_577, %shift_right_arithmetic3A_588 : vector<16xi32>
    %swap3A_590 = arith.constant 2 : i32
    %swap3A_591 = arith.index_cast %swap3A_590 : i32 to index
    %swap3A_592 = arith.constant 96 : index
    %swap3A_593 = tpu.vector_load %arg9[%swap3A_591, %swap3A_592] {strides = array<i32>} : memref<4x128xi32, #tpu.memory_space<vmem>>, vector<1x16xi32>,
    %swap3A_594 = vector.shape_cast %swap3A_593 : vector<1x16xi32> to vector<16xi32>
    %swap3A_595 = vector.shape_cast %shift_right_arithmetic3A_589 : vector<16xi32> to vector<1x16xi32>
    tpu.vector_store %arg9[%swap3A_591, %swap3A_592], %swap3A_595 {strides = array<i32>} : memref<4x128xi32, #tpu.memory_space<vmem>>, vector<1x16xi32>,
    %mul3A_596 = arith.constant 4 : i32
    %mul3A_597 = arith.muli %add3A, %mul3A_596 : i32
    %add3A_598 = arith.constant 2 : i32
    %add3A_599 = arith.addi %mul3A_597, %add3A_598 : i32
    %get3A_600 = arith.index_cast %add3A_599 : i32 to index
    %get3A_601 = arith.constant 112 : index
    %get3A_602 = tpu.vector_load %arg7[%get3A_600, %get3A_601] {strides = array<i32>} : memref<128x128xi32, #tpu.memory_space<vmem>>, vector<1x16xi32>,
    %get3A_603 = vector.shape_cast %get3A_602 : vector<1x16xi32> to vector<16xi32>
    %shift_right_arithmetic3A_604 = arith.constant 2 : i32
    %shift_right_arithmetic3A_605 = vector.broadcast %shift_right_arithmetic3A_604 : i32 to vector<16xi32>
    %shift_right_arithmetic3A_606 = arith.shrsi %get3A_603, %shift_right_arithmetic3A_605 : vector<16xi32>
    %swap3A_607 = arith.constant 2 : i32
    %swap3A_608 = arith.index_cast %swap3A_607 : i32 to index
    %swap3A_609 = arith.constant 112 : index
    %swap3A_610 = tpu.vector_load %arg8[%swap3A_608, %swap3A_609] {strides = array<i32>} : memref<4x128xi32, #tpu.memory_space<vmem>>, vector<1x16xi32>,
    %swap3A_611 = vector.shape_cast %swap3A_610 : vector<1x16xi32> to vector<16xi32>
    %swap3A_612 = vector.shape_cast %shift_right_arithmetic3A_606 : vector<16xi32> to vector<1x16xi32>
    tpu.vector_store %arg8[%swap3A_608, %swap3A_609], %swap3A_612 {strides = array<i32>} : memref<4x128xi32, #tpu.memory_space<vmem>>, vector<1x16xi32>,
    %shift_right_arithmetic3A_613 = arith.constant 1 : i32
    %shift_right_arithmetic3A_614 = vector.broadcast %shift_right_arithmetic3A_613 : i32 to vector<16xi32>
    %shift_right_arithmetic3A_615 = arith.shrsi %get3A_603, %shift_right_arithmetic3A_614 : vector<16xi32>
    %swap3A_616 = arith.constant 2 : i32
    %swap3A_617 = arith.index_cast %swap3A_616 : i32 to index
    %swap3A_618 = arith.constant 112 : index
    %swap3A_619 = tpu.vector_load %arg9[%swap3A_617, %swap3A_618] {strides = array<i32>} : memref<4x128xi32, #tpu.memory_space<vmem>>, vector<1x16xi32>,
    %swap3A_620 = vector.shape_cast %swap3A_619 : vector<1x16xi32> to vector<16xi32>
    %swap3A_621 = vector.shape_cast %shift_right_arithmetic3A_615 : vector<16xi32> to vector<1x16xi32>
    tpu.vector_store %arg9[%swap3A_617, %swap3A_618], %swap3A_621 {strides = array<i32>} : memref<4x128xi32, #tpu.memory_space<vmem>>, vector<1x16xi32>,
    %mul3A_622 = arith.constant 4 : i32
    %mul3A_623 = arith.muli %add3A, %mul3A_622 : i32
    %add3A_624 = arith.constant 3 : i32
    %add3A_625 = arith.addi %mul3A_623, %add3A_624 : i32
    %get3A_626 = arith.index_cast %add3A_625 : i32 to index
    %get3A_627 = arith.constant 0 : index
    %get3A_628 = tpu.vector_load %arg7[%get3A_626, %get3A_627] {strides = array<i32>} : memref<128x128xi32, #tpu.memory_space<vmem>>, vector<1x16xi32>,
    %get3A_629 = vector.shape_cast %get3A_628 : vector<1x16xi32> to vector<16xi32>
    %shift_right_arithmetic3A_630 = arith.constant 2 : i32
    %shift_right_arithmetic3A_631 = vector.broadcast %shift_right_arithmetic3A_630 : i32 to vector<16xi32>
    %shift_right_arithmetic3A_632 = arith.shrsi %get3A_629, %shift_right_arithmetic3A_631 : vector<16xi32>
    %swap3A_633 = arith.constant 3 : i32
    %swap3A_634 = arith.index_cast %swap3A_633 : i32 to index
    %swap3A_635 = arith.constant 0 : index
    %swap3A_636 = tpu.vector_load %arg8[%swap3A_634, %swap3A_635] {strides = array<i32>} : memref<4x128xi32, #tpu.memory_space<vmem>>, vector<1x16xi32>,
    %swap3A_637 = vector.shape_cast %swap3A_636 : vector<1x16xi32> to vector<16xi32>
    %swap3A_638 = vector.shape_cast %shift_right_arithmetic3A_632 : vector<16xi32> to vector<1x16xi32>
    tpu.vector_store %arg8[%swap3A_634, %swap3A_635], %swap3A_638 {strides = array<i32>} : memref<4x128xi32, #tpu.memory_space<vmem>>, vector<1x16xi32>,
    %shift_right_arithmetic3A_639 = arith.constant 1 : i32
    %shift_right_arithmetic3A_640 = vector.broadcast %shift_right_arithmetic3A_639 : i32 to vector<16xi32>
    %shift_right_arithmetic3A_641 = arith.shrsi %get3A_629, %shift_right_arithmetic3A_640 : vector<16xi32>
    %swap3A_642 = arith.constant 3 : i32
    %swap3A_643 = arith.index_cast %swap3A_642 : i32 to index
    %swap3A_644 = arith.constant 0 : index
    %swap3A_645 = tpu.vector_load %arg9[%swap3A_643, %swap3A_644] {strides = array<i32>} : memref<4x128xi32, #tpu.memory_space<vmem>>, vector<1x16xi32>,
    %swap3A_646 = vector.shape_cast %swap3A_645 : vector<1x16xi32> to vector<16xi32>
    %swap3A_647 = vector.shape_cast %shift_right_arithmetic3A_641 : vector<16xi32> to vector<1x16xi32>
    tpu.vector_store %arg9[%swap3A_643, %swap3A_644], %swap3A_647 {strides = array<i32>} : memref<4x128xi32, #tpu.memory_space<vmem>>, vector<1x16xi32>,
    %mul3A_648 = arith.constant 4 : i32
    %mul3A_649 = arith.muli %add3A, %mul3A_648 : i32
    %add3A_650 = arith.constant 3 : i32
    %add3A_651 = arith.addi %mul3A_649, %add3A_650 : i32
    %get3A_652 = arith.index_cast %add3A_651 : i32 to index
    %get3A_653 = arith.constant 16 : index
    %get3A_654 = tpu.vector_load %arg7[%get3A_652, %get3A_653] {strides = array<i32>} : memref<128x128xi32, #tpu.memory_space<vmem>>, vector<1x16xi32>,
    %get3A_655 = vector.shape_cast %get3A_654 : vector<1x16xi32> to vector<16xi32>
    %shift_right_arithmetic3A_656 = arith.constant 2 : i32
    %shift_right_arithmetic3A_657 = vector.broadcast %shift_right_arithmetic3A_656 : i32 to vector<16xi32>
    %shift_right_arithmetic3A_658 = arith.shrsi %get3A_655, %shift_right_arithmetic3A_657 : vector<16xi32>
    %swap3A_659 = arith.constant 3 : i32
    %swap3A_660 = arith.index_cast %swap3A_659 : i32 to index
    %swap3A_661 = arith.constant 16 : index
    %swap3A_662 = tpu.vector_load %arg8[%swap3A_660, %swap3A_661] {strides = array<i32>} : memref<4x128xi32, #tpu.memory_space<vmem>>, vector<1x16xi32>,
    %swap3A_663 = vector.shape_cast %swap3A_662 : vector<1x16xi32> to vector<16xi32>
    %swap3A_664 = vector.shape_cast %shift_right_arithmetic3A_658 : vector<16xi32> to vector<1x16xi32>
    tpu.vector_store %arg8[%swap3A_660, %swap3A_661], %swap3A_664 {strides = array<i32>} : memref<4x128xi32, #tpu.memory_space<vmem>>, vector<1x16xi32>,
    %shift_right_arithmetic3A_665 = arith.constant 1 : i32
    %shift_right_arithmetic3A_666 = vector.broadcast %shift_right_arithmetic3A_665 : i32 to vector<16xi32>
    %shift_right_arithmetic3A_667 = arith.shrsi %get3A_655, %shift_right_arithmetic3A_666 : vector<16xi32>
    %swap3A_668 = arith.constant 3 : i32
    %swap3A_669 = arith.index_cast %swap3A_668 : i32 to index
    %swap3A_670 = arith.constant 16 : index
    %swap3A_671 = tpu.vector_load %arg9[%swap3A_669, %swap3A_670] {strides = array<i32>} : memref<4x128xi32, #tpu.memory_space<vmem>>, vector<1x16xi32>,
    %swap3A_672 = vector.shape_cast %swap3A_671 : vector<1x16xi32> to vector<16xi32>
    %swap3A_673 = vector.shape_cast %shift_right_arithmetic3A_667 : vector<16xi32> to vector<1x16xi32>
    tpu.vector_store %arg9[%swap3A_669, %swap3A_670], %swap3A_673 {strides = array<i32>} : memref<4x128xi32, #tpu.memory_space<vmem>>, vector<1x16xi32>,
    %mul3A_674 = arith.constant 4 : i32
    %mul3A_675 = arith.muli %add3A, %mul3A_674 : i32
    %add3A_676 = arith.constant 3 : i32
    %add3A_677 = arith.addi %mul3A_675, %add3A_676 : i32
    %get3A_678 = arith.index_cast %add3A_677 : i32 to index
    %get3A_679 = arith.constant 32 : index
    %get3A_680 = tpu.vector_load %arg7[%get3A_678, %get3A_679] {strides = array<i32>} : memref<128x128xi32, #tpu.memory_space<vmem>>, vector<1x16xi32>,
    %get3A_681 = vector.shape_cast %get3A_680 : vector<1x16xi32> to vector<16xi32>
    %shift_right_arithmetic3A_682 = arith.constant 2 : i32
    %shift_right_arithmetic3A_683 = vector.broadcast %shift_right_arithmetic3A_682 : i32 to vector<16xi32>
    %shift_right_arithmetic3A_684 = arith.shrsi %get3A_681, %shift_right_arithmetic3A_683 : vector<16xi32>
    %swap3A_685 = arith.constant 3 : i32
    %swap3A_686 = arith.index_cast %swap3A_685 : i32 to index
    %swap3A_687 = arith.constant 32 : index
    %swap3A_688 = tpu.vector_load %arg8[%swap3A_686, %swap3A_687] {strides = array<i32>} : memref<4x128xi32, #tpu.memory_space<vmem>>, vector<1x16xi32>,
    %swap3A_689 = vector.shape_cast %swap3A_688 : vector<1x16xi32> to vector<16xi32>
    %swap3A_690 = vector.shape_cast %shift_right_arithmetic3A_684 : vector<16xi32> to vector<1x16xi32>
    tpu.vector_store %arg8[%swap3A_686, %swap3A_687], %swap3A_690 {strides = array<i32>} : memref<4x128xi32, #tpu.memory_space<vmem>>, vector<1x16xi32>,
    %shift_right_arithmetic3A_691 = arith.constant 1 : i32
    %shift_right_arithmetic3A_692 = vector.broadcast %shift_right_arithmetic3A_691 : i32 to vector<16xi32>
    %shift_right_arithmetic3A_693 = arith.shrsi %get3A_681, %shift_right_arithmetic3A_692 : vector<16xi32>
    %swap3A_694 = arith.constant 3 : i32
    %swap3A_695 = arith.index_cast %swap3A_694 : i32 to index
    %swap3A_696 = arith.constant 32 : index
    %swap3A_697 = tpu.vector_load %arg9[%swap3A_695, %swap3A_696] {strides = array<i32>} : memref<4x128xi32, #tpu.memory_space<vmem>>, vector<1x16xi32>,
    %swap3A_698 = vector.shape_cast %swap3A_697 : vector<1x16xi32> to vector<16xi32>
    %swap3A_699 = vector.shape_cast %shift_right_arithmetic3A_693 : vector<16xi32> to vector<1x16xi32>
    tpu.vector_store %arg9[%swap3A_695, %swap3A_696], %swap3A_699 {strides = array<i32>} : memref<4x128xi32, #tpu.memory_space<vmem>>, vector<1x16xi32>,
    %mul3A_700 = arith.constant 4 : i32
    %mul3A_701 = arith.muli %add3A, %mul3A_700 : i32
    %add3A_702 = arith.constant 3 : i32
    %add3A_703 = arith.addi %mul3A_701, %add3A_702 : i32
    %get3A_704 = arith.index_cast %add3A_703 : i32 to index
    %get3A_705 = arith.constant 48 : index
    %get3A_706 = tpu.vector_load %arg7[%get3A_704, %get3A_705] {strides = array<i32>} : memref<128x128xi32, #tpu.memory_space<vmem>>, vector<1x16xi32>,
    %get3A_707 = vector.shape_cast %get3A_706 : vector<1x16xi32> to vector<16xi32>
    %shift_right_arithmetic3A_708 = arith.constant 2 : i32
    %shift_right_arithmetic3A_709 = vector.broadcast %shift_right_arithmetic3A_708 : i32 to vector<16xi32>
    %shift_right_arithmetic3A_710 = arith.shrsi %get3A_707, %shift_right_arithmetic3A_709 : vector<16xi32>
    %swap3A_711 = arith.constant 3 : i32
    %swap3A_712 = arith.index_cast %swap3A_711 : i32 to index
    %swap3A_713 = arith.constant 48 : index
    %swap3A_714 = tpu.vector_load %arg8[%swap3A_712, %swap3A_713] {strides = array<i32>} : memref<4x128xi32, #tpu.memory_space<vmem>>, vector<1x16xi32>,
    %swap3A_715 = vector.shape_cast %swap3A_714 : vector<1x16xi32> to vector<16xi32>
    %swap3A_716 = vector.shape_cast %shift_right_arithmetic3A_710 : vector<16xi32> to vector<1x16xi32>
    tpu.vector_store %arg8[%swap3A_712, %swap3A_713], %swap3A_716 {strides = array<i32>} : memref<4x128xi32, #tpu.memory_space<vmem>>, vector<1x16xi32>,
    %shift_right_arithmetic3A_717 = arith.constant 1 : i32
    %shift_right_arithmetic3A_718 = vector.broadcast %shift_right_arithmetic3A_717 : i32 to vector<16xi32>
    %shift_right_arithmetic3A_719 = arith.shrsi %get3A_707, %shift_right_arithmetic3A_718 : vector<16xi32>
    %swap3A_720 = arith.constant 3 : i32
    %swap3A_721 = arith.index_cast %swap3A_720 : i32 to index
    %swap3A_722 = arith.constant 48 : index
    %swap3A_723 = tpu.vector_load %arg9[%swap3A_721, %swap3A_722] {strides = array<i32>} : memref<4x128xi32, #tpu.memory_space<vmem>>, vector<1x16xi32>,
    %swap3A_724 = vector.shape_cast %swap3A_723 : vector<1x16xi32> to vector<16xi32>
    %swap3A_725 = vector.shape_cast %shift_right_arithmetic3A_719 : vector<16xi32> to vector<1x16xi32>
    tpu.vector_store %arg9[%swap3A_721, %swap3A_722], %swap3A_725 {strides = array<i32>} : memref<4x128xi32, #tpu.memory_space<vmem>>, vector<1x16xi32>,
    %mul3A_726 = arith.constant 4 : i32
    %mul3A_727 = arith.muli %add3A, %mul3A_726 : i32
    %add3A_728 = arith.constant 3 : i32
    %add3A_729 = arith.addi %mul3A_727, %add3A_728 : i32
    %get3A_730 = arith.index_cast %add3A_729 : i32 to index
    %get3A_731 = arith.constant 64 : index
    %get3A_732 = tpu.vector_load %arg7[%get3A_730, %get3A_731] {strides = array<i32>} : memref<128x128xi32, #tpu.memory_space<vmem>>, vector<1x16xi32>,
    %get3A_733 = vector.shape_cast %get3A_732 : vector<1x16xi32> to vector<16xi32>
    %shift_right_arithmetic3A_734 = arith.constant 2 : i32
    %shift_right_arithmetic3A_735 = vector.broadcast %shift_right_arithmetic3A_734 : i32 to vector<16xi32>
    %shift_right_arithmetic3A_736 = arith.shrsi %get3A_733, %shift_right_arithmetic3A_735 : vector<16xi32>
    %swap3A_737 = arith.constant 3 : i32
    %swap3A_738 = arith.index_cast %swap3A_737 : i32 to index
    %swap3A_739 = arith.constant 64 : index
    %swap3A_740 = tpu.vector_load %arg8[%swap3A_738, %swap3A_739] {strides = array<i32>} : memref<4x128xi32, #tpu.memory_space<vmem>>, vector<1x16xi32>,
    %swap3A_741 = vector.shape_cast %swap3A_740 : vector<1x16xi32> to vector<16xi32>
    %swap3A_742 = vector.shape_cast %shift_right_arithmetic3A_736 : vector<16xi32> to vector<1x16xi32>
    tpu.vector_store %arg8[%swap3A_738, %swap3A_739], %swap3A_742 {strides = array<i32>} : memref<4x128xi32, #tpu.memory_space<vmem>>, vector<1x16xi32>,
    %shift_right_arithmetic3A_743 = arith.constant 1 : i32
    %shift_right_arithmetic3A_744 = vector.broadcast %shift_right_arithmetic3A_743 : i32 to vector<16xi32>
    %shift_right_arithmetic3A_745 = arith.shrsi %get3A_733, %shift_right_arithmetic3A_744 : vector<16xi32>
    %swap3A_746 = arith.constant 3 : i32
    %swap3A_747 = arith.index_cast %swap3A_746 : i32 to index
    %swap3A_748 = arith.constant 64 : index
    %swap3A_749 = tpu.vector_load %arg9[%swap3A_747, %swap3A_748] {strides = array<i32>} : memref<4x128xi32, #tpu.memory_space<vmem>>, vector<1x16xi32>,
    %swap3A_750 = vector.shape_cast %swap3A_749 : vector<1x16xi32> to vector<16xi32>
    %swap3A_751 = vector.shape_cast %shift_right_arithmetic3A_745 : vector<16xi32> to vector<1x16xi32>
    tpu.vector_store %arg9[%swap3A_747, %swap3A_748], %swap3A_751 {strides = array<i32>} : memref<4x128xi32, #tpu.memory_space<vmem>>, vector<1x16xi32>,
    %mul3A_752 = arith.constant 4 : i32
    %mul3A_753 = arith.muli %add3A, %mul3A_752 : i32
    %add3A_754 = arith.constant 3 : i32
    %add3A_755 = arith.addi %mul3A_753, %add3A_754 : i32
    %get3A_756 = arith.index_cast %add3A_755 : i32 to index
    %get3A_757 = arith.constant 80 : index
    %get3A_758 = tpu.vector_load %arg7[%get3A_756, %get3A_757] {strides = array<i32>} : memref<128x128xi32, #tpu.memory_space<vmem>>, vector<1x16xi32>,
    %get3A_759 = vector.shape_cast %get3A_758 : vector<1x16xi32> to vector<16xi32>
    %shift_right_arithmetic3A_760 = arith.constant 2 : i32
    %shift_right_arithmetic3A_761 = vector.broadcast %shift_right_arithmetic3A_760 : i32 to vector<16xi32>
    %shift_right_arithmetic3A_762 = arith.shrsi %get3A_759, %shift_right_arithmetic3A_761 : vector<16xi32>
    %swap3A_763 = arith.constant 3 : i32
    %swap3A_764 = arith.index_cast %swap3A_763 : i32 to index
    %swap3A_765 = arith.constant 80 : index
    %swap3A_766 = tpu.vector_load %arg8[%swap3A_764, %swap3A_765] {strides = array<i32>} : memref<4x128xi32, #tpu.memory_space<vmem>>, vector<1x16xi32>,
    %swap3A_767 = vector.shape_cast %swap3A_766 : vector<1x16xi32> to vector<16xi32>
    %swap3A_768 = vector.shape_cast %shift_right_arithmetic3A_762 : vector<16xi32> to vector<1x16xi32>
    tpu.vector_store %arg8[%swap3A_764, %swap3A_765], %swap3A_768 {strides = array<i32>} : memref<4x128xi32, #tpu.memory_space<vmem>>, vector<1x16xi32>,
    %shift_right_arithmetic3A_769 = arith.constant 1 : i32
    %shift_right_arithmetic3A_770 = vector.broadcast %shift_right_arithmetic3A_769 : i32 to vector<16xi32>
    %shift_right_arithmetic3A_771 = arith.shrsi %get3A_759, %shift_right_arithmetic3A_770 : vector<16xi32>
    %swap3A_772 = arith.constant 3 : i32
    %swap3A_773 = arith.index_cast %swap3A_772 : i32 to index
    %swap3A_774 = arith.constant 80 : index
    %swap3A_775 = tpu.vector_load %arg9[%swap3A_773, %swap3A_774] {strides = array<i32>} : memref<4x128xi32, #tpu.memory_space<vmem>>, vector<1x16xi32>,
    %swap3A_776 = vector.shape_cast %swap3A_775 : vector<1x16xi32> to vector<16xi32>
    %swap3A_777 = vector.shape_cast %shift_right_arithmetic3A_771 : vector<16xi32> to vector<1x16xi32>
    tpu.vector_store %arg9[%swap3A_773, %swap3A_774], %swap3A_777 {strides = array<i32>} : memref<4x128xi32, #tpu.memory_space<vmem>>, vector<1x16xi32>,
    %mul3A_778 = arith.constant 4 : i32
    %mul3A_779 = arith.muli %add3A, %mul3A_778 : i32
    %add3A_780 = arith.constant 3 : i32
    %add3A_781 = arith.addi %mul3A_779, %add3A_780 : i32
    %get3A_782 = arith.index_cast %add3A_781 : i32 to index
    %get3A_783 = arith.constant 96 : index
    %get3A_784 = tpu.vector_load %arg7[%get3A_782, %get3A_783] {strides = array<i32>} : memref<128x128xi32, #tpu.memory_space<vmem>>, vector<1x16xi32>,
    %get3A_785 = vector.shape_cast %get3A_784 : vector<1x16xi32> to vector<16xi32>
    %shift_right_arithmetic3A_786 = arith.constant 2 : i32
    %shift_right_arithmetic3A_787 = vector.broadcast %shift_right_arithmetic3A_786 : i32 to vector<16xi32>
    %shift_right_arithmetic3A_788 = arith.shrsi %get3A_785, %shift_right_arithmetic3A_787 : vector<16xi32>
    %swap3A_789 = arith.constant 3 : i32
    %swap3A_790 = arith.index_cast %swap3A_789 : i32 to index
    %swap3A_791 = arith.constant 96 : index
    %swap3A_792 = tpu.vector_load %arg8[%swap3A_790, %swap3A_791] {strides = array<i32>} : memref<4x128xi32, #tpu.memory_space<vmem>>, vector<1x16xi32>,
    %swap3A_793 = vector.shape_cast %swap3A_792 : vector<1x16xi32> to vector<16xi32>
    %swap3A_794 = vector.shape_cast %shift_right_arithmetic3A_788 : vector<16xi32> to vector<1x16xi32>
    tpu.vector_store %arg8[%swap3A_790, %swap3A_791], %swap3A_794 {strides = array<i32>} : memref<4x128xi32, #tpu.memory_space<vmem>>, vector<1x16xi32>,
    %shift_right_arithmetic3A_795 = arith.constant 1 : i32
    %shift_right_arithmetic3A_796 = vector.broadcast %shift_right_arithmetic3A_795 : i32 to vector<16xi32>
    %shift_right_arithmetic3A_797 = arith.shrsi %get3A_785, %shift_right_arithmetic3A_796 : vector<16xi32>
    %swap3A_798 = arith.constant 3 : i32
    %swap3A_799 = arith.index_cast %swap3A_798 : i32 to index
    %swap3A_800 = arith.constant 96 : index
    %swap3A_801 = tpu.vector_load %arg9[%swap3A_799, %swap3A_800] {strides = array<i32>} : memref<4x128xi32, #tpu.memory_space<vmem>>, vector<1x16xi32>,
    %swap3A_802 = vector.shape_cast %swap3A_801 : vector<1x16xi32> to vector<16xi32>
    %swap3A_803 = vector.shape_cast %shift_right_arithmetic3A_797 : vector<16xi32> to vector<1x16xi32>
    tpu.vector_store %arg9[%swap3A_799, %swap3A_800], %swap3A_803 {strides = array<i32>} : memref<4x128xi32, #tpu.memory_space<vmem>>, vector<1x16xi32>,
    %mul3A_804 = arith.constant 4 : i32
    %mul3A_805 = arith.muli %add3A, %mul3A_804 : i32
    %add3A_806 = arith.constant 3 : i32
    %add3A_807 = arith.addi %mul3A_805, %add3A_806 : i32
    %get3A_808 = arith.index_cast %add3A_807 : i32 to index
    %get3A_809 = arith.constant 112 : index
    %get3A_810 = tpu.vector_load %arg7[%get3A_808, %get3A_809] {strides = array<i32>} : memref<128x128xi32, #tpu.memory_space<vmem>>, vector<1x16xi32>,
    %get3A_811 = vector.shape_cast %get3A_810 : vector<1x16xi32> to vector<16xi32>
    %shift_right_arithmetic3A_812 = arith.constant 2 : i32
    %shift_right_arithmetic3A_813 = vector.broadcast %shift_right_arithmetic3A_812 : i32 to vector<16xi32>
    %shift_right_arithmetic3A_814 = arith.shrsi %get3A_811, %shift_right_arithmetic3A_813 : vector<16xi32>
    %swap3A_815 = arith.constant 3 : i32
    %swap3A_816 = arith.index_cast %swap3A_815 : i32 to index
    %swap3A_817 = arith.constant 112 : index
    %swap3A_818 = tpu.vector_load %arg8[%swap3A_816, %swap3A_817] {strides = array<i32>} : memref<4x128xi32, #tpu.memory_space<vmem>>, vector<1x16xi32>,
    %swap3A_819 = vector.shape_cast %swap3A_818 : vector<1x16xi32> to vector<16xi32>
    %swap3A_820 = vector.shape_cast %shift_right_arithmetic3A_814 : vector<16xi32> to vector<1x16xi32>
    tpu.vector_store %arg8[%swap3A_816, %swap3A_817], %swap3A_820 {strides = array<i32>} : memref<4x128xi32, #tpu.memory_space<vmem>>, vector<1x16xi32>,
    %shift_right_arithmetic3A_821 = arith.constant 1 : i32
    %shift_right_arithmetic3A_822 = vector.broadcast %shift_right_arithmetic3A_821 : i32 to vector<16xi32>
    %shift_right_arithmetic3A_823 = arith.shrsi %get3A_811, %shift_right_arithmetic3A_822 : vector<16xi32>
    %swap3A_824 = arith.constant 3 : i32
    %swap3A_825 = arith.index_cast %swap3A_824 : i32 to index
    %swap3A_826 = arith.constant 112 : index
    %swap3A_827 = tpu.vector_load %arg9[%swap3A_825, %swap3A_826] {strides = array<i32>} : memref<4x128xi32, #tpu.memory_space<vmem>>, vector<1x16xi32>,
    %swap3A_828 = vector.shape_cast %swap3A_827 : vector<1x16xi32> to vector<16xi32>
    %swap3A_829 = vector.shape_cast %shift_right_arithmetic3A_823 : vector<16xi32> to vector<1x16xi32>
    tpu.vector_store %arg9[%swap3A_825, %swap3A_826], %swap3A_829 {strides = array<i32>} : memref<4x128xi32, #tpu.memory_space<vmem>>, vector<1x16xi32>,
    %mul3A_830 = arith.constant 4 : i32
    %mul3A_831 = arith.muli %add3A, %mul3A_830 : i32
    %add3A_832 = arith.constant 0 : i32
    %add3A_833 = arith.addi %mul3A_831, %add3A_832 : i32
    %mul3A_834 = arith.constant 128 : i32
    %mul3A_835 = arith.muli %add3A_833, %mul3A_834 : i32
    %multiple_of3A = tpu.assume_multiple %mul3A_835, 128 : i32
    %dma_start3A = arith.constant 0 : i32
    %dma_start3A_836 = arith.constant 0 : i32
    %dma_start3A_837 = tpu.memref_slice %arg8[%dma_start3A, %dma_start3A_836] : memref<4x128xi32, #tpu.memory_space<vmem>> -> memref<1x128xi32, #tpu.memory_space<vmem>>
    %dma_start3A_838 = tpu.memref_squeeze %dma_start3A_837 : memref<1x128xi32, #tpu.memory_space<vmem>> -> memref<128xi32, #tpu.memory_space<vmem>>
    %dma_start3A_839 = arith.constant 0 : i32
    %dma_start3A_840 = arith.constant 0 : i32
    %dma_start3A_841 = tpu.memref_slice %arg3[%dma_start3A_839, %dma_start3A_840] : memref<250000x128xf32, #tpu.memory_space<hbm>> -> memref<250000x128xf32, #tpu.memory_space<hbm>>
    tpu.enqueue_indirect_dma source(%dma_start3A_841 : memref<250000x128xf32, #tpu.memory_space<hbm>>) target(%arg10 : memref<128x128xf32, #tpu.memory_space<vmem>>) offsets(%dma_start3A_838 : memref<128xi32, #tpu.memory_space<vmem>>) semaphore(%arg12 : memref<!tpu.dma_semaphore, #tpu.memory_space<semaphore_mem>>)
    %dma_start3A_842 = arith.constant 0 : i32
    %dma_start3A_843 = arith.constant 0 : i32
    %dma_start3A_844 = tpu.memref_slice %arg9[%dma_start3A_842, %dma_start3A_843] : memref<4x128xi32, #tpu.memory_space<vmem>> -> memref<1x128xi32, #tpu.memory_space<vmem>>
    %dma_start3A_845 = tpu.memref_squeeze %dma_start3A_844 : memref<1x128xi32, #tpu.memory_space<vmem>> -> memref<128xi32, #tpu.memory_space<vmem>>
    %dma_start3A_846 = arith.constant 0 : i32
    %dma_start3A_847 = arith.constant 0 : i32
    %dma_start3A_848 = tpu.memref_slice %arg4[%dma_start3A_846, %dma_start3A_847] : memref<500000x128xf32, #tpu.memory_space<hbm>> -> memref<500000x128xf32, #tpu.memory_space<hbm>>
    tpu.enqueue_indirect_dma source(%dma_start3A_848 : memref<500000x128xf32, #tpu.memory_space<hbm>>) target(%arg11 : memref<128x128xf32, #tpu.memory_space<vmem>>) offsets(%dma_start3A_845 : memref<128xi32, #tpu.memory_space<vmem>>) semaphore(%arg13 : memref<!tpu.dma_semaphore, #tpu.memory_space<semaphore_mem>>)
    %dma_wait3A = arith.constant 0 : i32
    %dma_wait3A_849 = arith.constant 0 : i32
    %dma_wait3A_850 = tpu.memref_slice %arg8[%dma_wait3A, %dma_wait3A_849] : memref<4x128xi32, #tpu.memory_space<vmem>> -> memref<1x128xi32, #tpu.memory_space<vmem>>
    %dma_wait3A_851 = tpu.memref_squeeze %dma_wait3A_850 : memref<1x128xi32, #tpu.memory_space<vmem>> -> memref<128xi32, #tpu.memory_space<vmem>>
    %dma_wait3A_852 = arith.constant 0 : i32
    %dma_wait3A_853 = arith.constant 0 : i32
    %dma_wait3A_854 = tpu.memref_slice %arg3[%dma_wait3A_852, %dma_wait3A_853] : memref<250000x128xf32, #tpu.memory_space<hbm>> -> memref<250000x128xf32, #tpu.memory_space<hbm>>
    tpu.wait_indirect_dma semaphore(%arg12 : memref<!tpu.dma_semaphore, #tpu.memory_space<semaphore_mem>>) src(%dma_wait3A_854 : memref<250000x128xf32, #tpu.memory_space<hbm>>) dst(%arg10 : memref<128x128xf32, #tpu.memory_space<vmem>>)
    %dma_wait3A_855 = arith.constant 0 : i32
    %dma_wait3A_856 = arith.constant 0 : i32
    %dma_wait3A_857 = tpu.memref_slice %arg9[%dma_wait3A_855, %dma_wait3A_856] : memref<4x128xi32, #tpu.memory_space<vmem>> -> memref<1x128xi32, #tpu.memory_space<vmem>>
    %dma_wait3A_858 = tpu.memref_squeeze %dma_wait3A_857 : memref<1x128xi32, #tpu.memory_space<vmem>> -> memref<128xi32, #tpu.memory_space<vmem>>
    %dma_wait3A_859 = arith.constant 0 : i32
    %dma_wait3A_860 = arith.constant 0 : i32
    %dma_wait3A_861 = tpu.memref_slice %arg4[%dma_wait3A_859, %dma_wait3A_860] : memref<500000x128xf32, #tpu.memory_space<hbm>> -> memref<500000x128xf32, #tpu.memory_space<hbm>>
    tpu.wait_indirect_dma semaphore(%arg13 : memref<!tpu.dma_semaphore, #tpu.memory_space<semaphore_mem>>) src(%dma_wait3A_861 : memref<500000x128xf32, #tpu.memory_space<hbm>>) dst(%arg11 : memref<128x128xf32, #tpu.memory_space<vmem>>)
    "tpu.region"() ({
      %run_scoped3A = tpu.sem_alloc : memref<!tpu.dma_semaphore, #tpu.memory_space<semaphore_mem>>
      %dma_start3A_967 = arith.constant 0 : i32
      %dma_start3A_968 = tpu.memref_slice %arg5[%multiple_of3A, %dma_start3A_967] : memref<16384x128xf32, #tpu.memory_space<hbm>> -> memref<128x128xf32, #tpu.memory_space<hbm>>
      %dma_start3A_969 = arith.constant 0 : i32
      %dma_start3A_970 = tpu.memref_slice %arg5[%multiple_of3A, %dma_start3A_969] : memref<16384x128xf32, #tpu.memory_space<hbm>> -> memref<128x128xf32, #tpu.memory_space<hbm>>
      tpu.enqueue_dma source(%arg10 : memref<128x128xf32, #tpu.memory_space<vmem>>) target(%dma_start3A_970 : memref<128x128xf32, #tpu.memory_space<hbm>>) target_semaphore(%run_scoped3A : memref<!tpu.dma_semaphore, #tpu.memory_space<semaphore_mem>>)
      %dma_wait3A_971 = arith.constant 0 : i32
      %dma_wait3A_972 = tpu.memref_slice %arg5[%multiple_of3A, %dma_wait3A_971] : memref<16384x128xf32, #tpu.memory_space<hbm>> -> memref<128x128xf32, #tpu.memory_space<hbm>>
      %dma_wait3A_973 = arith.constant 0 : i32
      %dma_wait3A_974 = tpu.memref_slice %arg5[%multiple_of3A, %dma_wait3A_973] : memref<16384x128xf32, #tpu.memory_space<hbm>> -> memref<128x128xf32, #tpu.memory_space<hbm>>
      tpu.wait_dma2 semaphore(%run_scoped3A : memref<!tpu.dma_semaphore, #tpu.memory_space<semaphore_mem>>) src(%arg10 : memref<128x128xf32, #tpu.memory_space<vmem>>) dst(%dma_wait3A_974 : memref<128x128xf32, #tpu.memory_space<hbm>>)
      tpu.yield
    }) : () -> ()
    "tpu.region"() ({
      %run_scoped3A = tpu.sem_alloc : memref<!tpu.dma_semaphore, #tpu.memory_space<semaphore_mem>>
      %dma_start3A_967 = arith.constant 0 : i32
      %dma_start3A_968 = tpu.memref_slice %arg6[%multiple_of3A, %dma_start3A_967] : memref<16384x128xf32, #tpu.memory_space<hbm>> -> memref<128x128xf32, #tpu.memory_space<hbm>>
      %dma_start3A_969 = arith.constant 0 : i32
      %dma_start3A_970 = tpu.memref_slice %arg6[%multiple_of3A, %dma_start3A_969] : memref<16384x128xf32, #tpu.memory_space<hbm>> -> memref<128x128xf32, #tpu.memory_space<hbm>>
      tpu.enqueue_dma source(%arg11 : memref<128x128xf32, #tpu.memory_space<vmem>>) target(%dma_start3A_970 : memref<128x128xf32, #tpu.memory_space<hbm>>) target_semaphore(%run_scoped3A : memref<!tpu.dma_semaphore, #tpu.memory_space<semaphore_mem>>)
      %dma_wait3A_971 = arith.constant 0 : i32
      %dma_wait3A_972 = tpu.memref_slice %arg6[%multiple_of3A, %dma_wait3A_971] : memref<16384x128xf32, #tpu.memory_space<hbm>> -> memref<128x128xf32, #tpu.memory_space<hbm>>
      %dma_wait3A_973 = arith.constant 0 : i32
      %dma_wait3A_974 = tpu.memref_slice %arg6[%multiple_of3A, %dma_wait3A_973] : memref<16384x128xf32, #tpu.memory_space<hbm>> -> memref<128x128xf32, #tpu.memory_space<hbm>>
      tpu.wait_dma2 semaphore(%run_scoped3A : memref<!tpu.dma_semaphore, #tpu.memory_space<semaphore_mem>>) src(%arg11 : memref<128x128xf32, #tpu.memory_space<vmem>>) dst(%dma_wait3A_974 : memref<128x128xf32, #tpu.memory_space<hbm>>)
      tpu.yield
    }) : () -> ()
    %mul3A_862 = arith.constant 4 : i32
    %mul3A_863 = arith.muli %add3A, %mul3A_862 : i32
    %add3A_864 = arith.constant 1 : i32
    %add3A_865 = arith.addi %mul3A_863, %add3A_864 : i32
    %mul3A_866 = arith.constant 128 : i32
    %mul3A_867 = arith.muli %add3A_865, %mul3A_866 : i32
    %multiple_of3A_868 = tpu.assume_multiple %mul3A_867, 128 : i32
    %dma_start3A_869 = arith.constant 1 : i32
    %dma_start3A_870 = arith.constant 0 : i32
    %dma_start3A_871 = tpu.memref_slice %arg8[%dma_start3A_869, %dma_start3A_870] : memref<4x128xi32, #tpu.memory_space<vmem>> -> memref<1x128xi32, #tpu.memory_space<vmem>>
    %dma_start3A_872 = tpu.memref_squeeze %dma_start3A_871 : memref<1x128xi32, #tpu.memory_space<vmem>> -> memref<128xi32, #tpu.memory_space<vmem>>
    %dma_start3A_873 = arith.constant 0 : i32
    %dma_start3A_874 = arith.constant 0 : i32
    %dma_start3A_875 = tpu.memref_slice %arg3[%dma_start3A_873, %dma_start3A_874] : memref<250000x128xf32, #tpu.memory_space<hbm>> -> memref<250000x128xf32, #tpu.memory_space<hbm>>
    tpu.enqueue_indirect_dma source(%dma_start3A_875 : memref<250000x128xf32, #tpu.memory_space<hbm>>) target(%arg10 : memref<128x128xf32, #tpu.memory_space<vmem>>) offsets(%dma_start3A_872 : memref<128xi32, #tpu.memory_space<vmem>>) semaphore(%arg12 : memref<!tpu.dma_semaphore, #tpu.memory_space<semaphore_mem>>)
    %dma_start3A_876 = arith.constant 1 : i32
    %dma_start3A_877 = arith.constant 0 : i32
    %dma_start3A_878 = tpu.memref_slice %arg9[%dma_start3A_876, %dma_start3A_877] : memref<4x128xi32, #tpu.memory_space<vmem>> -> memref<1x128xi32, #tpu.memory_space<vmem>>
    %dma_start3A_879 = tpu.memref_squeeze %dma_start3A_878 : memref<1x128xi32, #tpu.memory_space<vmem>> -> memref<128xi32, #tpu.memory_space<vmem>>
    %dma_start3A_880 = arith.constant 0 : i32
    %dma_start3A_881 = arith.constant 0 : i32
    %dma_start3A_882 = tpu.memref_slice %arg4[%dma_start3A_880, %dma_start3A_881] : memref<500000x128xf32, #tpu.memory_space<hbm>> -> memref<500000x128xf32, #tpu.memory_space<hbm>>
    tpu.enqueue_indirect_dma source(%dma_start3A_882 : memref<500000x128xf32, #tpu.memory_space<hbm>>) target(%arg11 : memref<128x128xf32, #tpu.memory_space<vmem>>) offsets(%dma_start3A_879 : memref<128xi32, #tpu.memory_space<vmem>>) semaphore(%arg13 : memref<!tpu.dma_semaphore, #tpu.memory_space<semaphore_mem>>)
    %dma_wait3A_883 = arith.constant 1 : i32
    %dma_wait3A_884 = arith.constant 0 : i32
    %dma_wait3A_885 = tpu.memref_slice %arg8[%dma_wait3A_883, %dma_wait3A_884] : memref<4x128xi32, #tpu.memory_space<vmem>> -> memref<1x128xi32, #tpu.memory_space<vmem>>
    %dma_wait3A_886 = tpu.memref_squeeze %dma_wait3A_885 : memref<1x128xi32, #tpu.memory_space<vmem>> -> memref<128xi32, #tpu.memory_space<vmem>>
    %dma_wait3A_887 = arith.constant 0 : i32
    %dma_wait3A_888 = arith.constant 0 : i32
    %dma_wait3A_889 = tpu.memref_slice %arg3[%dma_wait3A_887, %dma_wait3A_888] : memref<250000x128xf32, #tpu.memory_space<hbm>> -> memref<250000x128xf32, #tpu.memory_space<hbm>>
    tpu.wait_indirect_dma semaphore(%arg12 : memref<!tpu.dma_semaphore, #tpu.memory_space<semaphore_mem>>) src(%dma_wait3A_889 : memref<250000x128xf32, #tpu.memory_space<hbm>>) dst(%arg10 : memref<128x128xf32, #tpu.memory_space<vmem>>)
    %dma_wait3A_890 = arith.constant 1 : i32
    %dma_wait3A_891 = arith.constant 0 : i32
    %dma_wait3A_892 = tpu.memref_slice %arg9[%dma_wait3A_890, %dma_wait3A_891] : memref<4x128xi32, #tpu.memory_space<vmem>> -> memref<1x128xi32, #tpu.memory_space<vmem>>
    %dma_wait3A_893 = tpu.memref_squeeze %dma_wait3A_892 : memref<1x128xi32, #tpu.memory_space<vmem>> -> memref<128xi32, #tpu.memory_space<vmem>>
    %dma_wait3A_894 = arith.constant 0 : i32
    %dma_wait3A_895 = arith.constant 0 : i32
    %dma_wait3A_896 = tpu.memref_slice %arg4[%dma_wait3A_894, %dma_wait3A_895] : memref<500000x128xf32, #tpu.memory_space<hbm>> -> memref<500000x128xf32, #tpu.memory_space<hbm>>
    tpu.wait_indirect_dma semaphore(%arg13 : memref<!tpu.dma_semaphore, #tpu.memory_space<semaphore_mem>>) src(%dma_wait3A_896 : memref<500000x128xf32, #tpu.memory_space<hbm>>) dst(%arg11 : memref<128x128xf32, #tpu.memory_space<vmem>>)
    "tpu.region"() ({
      %run_scoped3A = tpu.sem_alloc : memref<!tpu.dma_semaphore, #tpu.memory_space<semaphore_mem>>
      %dma_start3A_967 = arith.constant 0 : i32
      %dma_start3A_968 = tpu.memref_slice %arg5[%multiple_of3A_868, %dma_start3A_967] : memref<16384x128xf32, #tpu.memory_space<hbm>> -> memref<128x128xf32, #tpu.memory_space<hbm>>
      %dma_start3A_969 = arith.constant 0 : i32
      %dma_start3A_970 = tpu.memref_slice %arg5[%multiple_of3A_868, %dma_start3A_969] : memref<16384x128xf32, #tpu.memory_space<hbm>> -> memref<128x128xf32, #tpu.memory_space<hbm>>
      tpu.enqueue_dma source(%arg10 : memref<128x128xf32, #tpu.memory_space<vmem>>) target(%dma_start3A_970 : memref<128x128xf32, #tpu.memory_space<hbm>>) target_semaphore(%run_scoped3A : memref<!tpu.dma_semaphore, #tpu.memory_space<semaphore_mem>>)
      %dma_wait3A_971 = arith.constant 0 : i32
      %dma_wait3A_972 = tpu.memref_slice %arg5[%multiple_of3A_868, %dma_wait3A_971] : memref<16384x128xf32, #tpu.memory_space<hbm>> -> memref<128x128xf32, #tpu.memory_space<hbm>>
      %dma_wait3A_973 = arith.constant 0 : i32
      %dma_wait3A_974 = tpu.memref_slice %arg5[%multiple_of3A_868, %dma_wait3A_973] : memref<16384x128xf32, #tpu.memory_space<hbm>> -> memref<128x128xf32, #tpu.memory_space<hbm>>
      tpu.wait_dma2 semaphore(%run_scoped3A : memref<!tpu.dma_semaphore, #tpu.memory_space<semaphore_mem>>) src(%arg10 : memref<128x128xf32, #tpu.memory_space<vmem>>) dst(%dma_wait3A_974 : memref<128x128xf32, #tpu.memory_space<hbm>>)
      tpu.yield
    }) : () -> ()
    "tpu.region"() ({
      %run_scoped3A = tpu.sem_alloc : memref<!tpu.dma_semaphore, #tpu.memory_space<semaphore_mem>>
      %dma_start3A_967 = arith.constant 0 : i32
      %dma_start3A_968 = tpu.memref_slice %arg6[%multiple_of3A_868, %dma_start3A_967] : memref<16384x128xf32, #tpu.memory_space<hbm>> -> memref<128x128xf32, #tpu.memory_space<hbm>>
      %dma_start3A_969 = arith.constant 0 : i32
      %dma_start3A_970 = tpu.memref_slice %arg6[%multiple_of3A_868, %dma_start3A_969] : memref<16384x128xf32, #tpu.memory_space<hbm>> -> memref<128x128xf32, #tpu.memory_space<hbm>>
      tpu.enqueue_dma source(%arg11 : memref<128x128xf32, #tpu.memory_space<vmem>>) target(%dma_start3A_970 : memref<128x128xf32, #tpu.memory_space<hbm>>) target_semaphore(%run_scoped3A : memref<!tpu.dma_semaphore, #tpu.memory_space<semaphore_mem>>)
      %dma_wait3A_971 = arith.constant 0 : i32
      %dma_wait3A_972 = tpu.memref_slice %arg6[%multiple_of3A_868, %dma_wait3A_971] : memref<16384x128xf32, #tpu.memory_space<hbm>> -> memref<128x128xf32, #tpu.memory_space<hbm>>
      %dma_wait3A_973 = arith.constant 0 : i32
      %dma_wait3A_974 = tpu.memref_slice %arg6[%multiple_of3A_868, %dma_wait3A_973] : memref<16384x128xf32, #tpu.memory_space<hbm>> -> memref<128x128xf32, #tpu.memory_space<hbm>>
      tpu.wait_dma2 semaphore(%run_scoped3A : memref<!tpu.dma_semaphore, #tpu.memory_space<semaphore_mem>>) src(%arg11 : memref<128x128xf32, #tpu.memory_space<vmem>>) dst(%dma_wait3A_974 : memref<128x128xf32, #tpu.memory_space<hbm>>)
      tpu.yield
    }) : () -> ()
    %mul3A_897 = arith.constant 4 : i32
    %mul3A_898 = arith.muli %add3A, %mul3A_897 : i32
    %add3A_899 = arith.constant 2 : i32
    %add3A_900 = arith.addi %mul3A_898, %add3A_899 : i32
    %mul3A_901 = arith.constant 128 : i32
    %mul3A_902 = arith.muli %add3A_900, %mul3A_901 : i32
    %multiple_of3A_903 = tpu.assume_multiple %mul3A_902, 128 : i32
    %dma_start3A_904 = arith.constant 2 : i32
    %dma_start3A_905 = arith.constant 0 : i32
    %dma_start3A_906 = tpu.memref_slice %arg8[%dma_start3A_904, %dma_start3A_905] : memref<4x128xi32, #tpu.memory_space<vmem>> -> memref<1x128xi32, #tpu.memory_space<vmem>>
    %dma_start3A_907 = tpu.memref_squeeze %dma_start3A_906 : memref<1x128xi32, #tpu.memory_space<vmem>> -> memref<128xi32, #tpu.memory_space<vmem>>
    %dma_start3A_908 = arith.constant 0 : i32
    %dma_start3A_909 = arith.constant 0 : i32
    %dma_start3A_910 = tpu.memref_slice %arg3[%dma_start3A_908, %dma_start3A_909] : memref<250000x128xf32, #tpu.memory_space<hbm>> -> memref<250000x128xf32, #tpu.memory_space<hbm>>
    tpu.enqueue_indirect_dma source(%dma_start3A_910 : memref<250000x128xf32, #tpu.memory_space<hbm>>) target(%arg10 : memref<128x128xf32, #tpu.memory_space<vmem>>) offsets(%dma_start3A_907 : memref<128xi32, #tpu.memory_space<vmem>>) semaphore(%arg12 : memref<!tpu.dma_semaphore, #tpu.memory_space<semaphore_mem>>)
    %dma_start3A_911 = arith.constant 2 : i32
    %dma_start3A_912 = arith.constant 0 : i32
    %dma_start3A_913 = tpu.memref_slice %arg9[%dma_start3A_911, %dma_start3A_912] : memref<4x128xi32, #tpu.memory_space<vmem>> -> memref<1x128xi32, #tpu.memory_space<vmem>>
    %dma_start3A_914 = tpu.memref_squeeze %dma_start3A_913 : memref<1x128xi32, #tpu.memory_space<vmem>> -> memref<128xi32, #tpu.memory_space<vmem>>
    %dma_start3A_915 = arith.constant 0 : i32
    %dma_start3A_916 = arith.constant 0 : i32
    %dma_start3A_917 = tpu.memref_slice %arg4[%dma_start3A_915, %dma_start3A_916] : memref<500000x128xf32, #tpu.memory_space<hbm>> -> memref<500000x128xf32, #tpu.memory_space<hbm>>
    tpu.enqueue_indirect_dma source(%dma_start3A_917 : memref<500000x128xf32, #tpu.memory_space<hbm>>) target(%arg11 : memref<128x128xf32, #tpu.memory_space<vmem>>) offsets(%dma_start3A_914 : memref<128xi32, #tpu.memory_space<vmem>>) semaphore(%arg13 : memref<!tpu.dma_semaphore, #tpu.memory_space<semaphore_mem>>)
    %dma_wait3A_918 = arith.constant 2 : i32
    %dma_wait3A_919 = arith.constant 0 : i32
    %dma_wait3A_920 = tpu.memref_slice %arg8[%dma_wait3A_918, %dma_wait3A_919] : memref<4x128xi32, #tpu.memory_space<vmem>> -> memref<1x128xi32, #tpu.memory_space<vmem>>
    %dma_wait3A_921 = tpu.memref_squeeze %dma_wait3A_920 : memref<1x128xi32, #tpu.memory_space<vmem>> -> memref<128xi32, #tpu.memory_space<vmem>>
    %dma_wait3A_922 = arith.constant 0 : i32
    %dma_wait3A_923 = arith.constant 0 : i32
    %dma_wait3A_924 = tpu.memref_slice %arg3[%dma_wait3A_922, %dma_wait3A_923] : memref<250000x128xf32, #tpu.memory_space<hbm>> -> memref<250000x128xf32, #tpu.memory_space<hbm>>
    tpu.wait_indirect_dma semaphore(%arg12 : memref<!tpu.dma_semaphore, #tpu.memory_space<semaphore_mem>>) src(%dma_wait3A_924 : memref<250000x128xf32, #tpu.memory_space<hbm>>) dst(%arg10 : memref<128x128xf32, #tpu.memory_space<vmem>>)
    %dma_wait3A_925 = arith.constant 2 : i32
    %dma_wait3A_926 = arith.constant 0 : i32
    %dma_wait3A_927 = tpu.memref_slice %arg9[%dma_wait3A_925, %dma_wait3A_926] : memref<4x128xi32, #tpu.memory_space<vmem>> -> memref<1x128xi32, #tpu.memory_space<vmem>>
    %dma_wait3A_928 = tpu.memref_squeeze %dma_wait3A_927 : memref<1x128xi32, #tpu.memory_space<vmem>> -> memref<128xi32, #tpu.memory_space<vmem>>
    %dma_wait3A_929 = arith.constant 0 : i32
    %dma_wait3A_930 = arith.constant 0 : i32
    %dma_wait3A_931 = tpu.memref_slice %arg4[%dma_wait3A_929, %dma_wait3A_930] : memref<500000x128xf32, #tpu.memory_space<hbm>> -> memref<500000x128xf32, #tpu.memory_space<hbm>>
    tpu.wait_indirect_dma semaphore(%arg13 : memref<!tpu.dma_semaphore, #tpu.memory_space<semaphore_mem>>) src(%dma_wait3A_931 : memref<500000x128xf32, #tpu.memory_space<hbm>>) dst(%arg11 : memref<128x128xf32, #tpu.memory_space<vmem>>)
    "tpu.region"() ({
      %run_scoped3A = tpu.sem_alloc : memref<!tpu.dma_semaphore, #tpu.memory_space<semaphore_mem>>
      %dma_start3A_967 = arith.constant 0 : i32
      %dma_start3A_968 = tpu.memref_slice %arg5[%multiple_of3A_903, %dma_start3A_967] : memref<16384x128xf32, #tpu.memory_space<hbm>> -> memref<128x128xf32, #tpu.memory_space<hbm>>
      %dma_start3A_969 = arith.constant 0 : i32
      %dma_start3A_970 = tpu.memref_slice %arg5[%multiple_of3A_903, %dma_start3A_969] : memref<16384x128xf32, #tpu.memory_space<hbm>> -> memref<128x128xf32, #tpu.memory_space<hbm>>
      tpu.enqueue_dma source(%arg10 : memref<128x128xf32, #tpu.memory_space<vmem>>) target(%dma_start3A_970 : memref<128x128xf32, #tpu.memory_space<hbm>>) target_semaphore(%run_scoped3A : memref<!tpu.dma_semaphore, #tpu.memory_space<semaphore_mem>>)
      %dma_wait3A_971 = arith.constant 0 : i32
      %dma_wait3A_972 = tpu.memref_slice %arg5[%multiple_of3A_903, %dma_wait3A_971] : memref<16384x128xf32, #tpu.memory_space<hbm>> -> memref<128x128xf32, #tpu.memory_space<hbm>>
      %dma_wait3A_973 = arith.constant 0 : i32
      %dma_wait3A_974 = tpu.memref_slice %arg5[%multiple_of3A_903, %dma_wait3A_973] : memref<16384x128xf32, #tpu.memory_space<hbm>> -> memref<128x128xf32, #tpu.memory_space<hbm>>
      tpu.wait_dma2 semaphore(%run_scoped3A : memref<!tpu.dma_semaphore, #tpu.memory_space<semaphore_mem>>) src(%arg10 : memref<128x128xf32, #tpu.memory_space<vmem>>) dst(%dma_wait3A_974 : memref<128x128xf32, #tpu.memory_space<hbm>>)
      tpu.yield
    }) : () -> ()
    "tpu.region"() ({
      %run_scoped3A = tpu.sem_alloc : memref<!tpu.dma_semaphore, #tpu.memory_space<semaphore_mem>>
      %dma_start3A_967 = arith.constant 0 : i32
      %dma_start3A_968 = tpu.memref_slice %arg6[%multiple_of3A_903, %dma_start3A_967] : memref<16384x128xf32, #tpu.memory_space<hbm>> -> memref<128x128xf32, #tpu.memory_space<hbm>>
      %dma_start3A_969 = arith.constant 0 : i32
      %dma_start3A_970 = tpu.memref_slice %arg6[%multiple_of3A_903, %dma_start3A_969] : memref<16384x128xf32, #tpu.memory_space<hbm>> -> memref<128x128xf32, #tpu.memory_space<hbm>>
      tpu.enqueue_dma source(%arg11 : memref<128x128xf32, #tpu.memory_space<vmem>>) target(%dma_start3A_970 : memref<128x128xf32, #tpu.memory_space<hbm>>) target_semaphore(%run_scoped3A : memref<!tpu.dma_semaphore, #tpu.memory_space<semaphore_mem>>)
      %dma_wait3A_971 = arith.constant 0 : i32
      %dma_wait3A_972 = tpu.memref_slice %arg6[%multiple_of3A_903, %dma_wait3A_971] : memref<16384x128xf32, #tpu.memory_space<hbm>> -> memref<128x128xf32, #tpu.memory_space<hbm>>
      %dma_wait3A_973 = arith.constant 0 : i32
      %dma_wait3A_974 = tpu.memref_slice %arg6[%multiple_of3A_903, %dma_wait3A_973] : memref<16384x128xf32, #tpu.memory_space<hbm>> -> memref<128x128xf32, #tpu.memory_space<hbm>>
      tpu.wait_dma2 semaphore(%run_scoped3A : memref<!tpu.dma_semaphore, #tpu.memory_space<semaphore_mem>>) src(%arg11 : memref<128x128xf32, #tpu.memory_space<vmem>>) dst(%dma_wait3A_974 : memref<128x128xf32, #tpu.memory_space<hbm>>)
      tpu.yield
    }) : () -> ()
    %mul3A_932 = arith.constant 4 : i32
    %mul3A_933 = arith.muli %add3A, %mul3A_932 : i32
    %add3A_934 = arith.constant 3 : i32
    %add3A_935 = arith.addi %mul3A_933, %add3A_934 : i32
    %mul3A_936 = arith.constant 128 : i32
    %mul3A_937 = arith.muli %add3A_935, %mul3A_936 : i32
    %multiple_of3A_938 = tpu.assume_multiple %mul3A_937, 128 : i32
    %dma_start3A_939 = arith.constant 3 : i32
    %dma_start3A_940 = arith.constant 0 : i32
    %dma_start3A_941 = tpu.memref_slice %arg8[%dma_start3A_939, %dma_start3A_940] : memref<4x128xi32, #tpu.memory_space<vmem>> -> memref<1x128xi32, #tpu.memory_space<vmem>>
    %dma_start3A_942 = tpu.memref_squeeze %dma_start3A_941 : memref<1x128xi32, #tpu.memory_space<vmem>> -> memref<128xi32, #tpu.memory_space<vmem>>
    %dma_start3A_943 = arith.constant 0 : i32
    %dma_start3A_944 = arith.constant 0 : i32
    %dma_start3A_945 = tpu.memref_slice %arg3[%dma_start3A_943, %dma_start3A_944] : memref<250000x128xf32, #tpu.memory_space<hbm>> -> memref<250000x128xf32, #tpu.memory_space<hbm>>
    tpu.enqueue_indirect_dma source(%dma_start3A_945 : memref<250000x128xf32, #tpu.memory_space<hbm>>) target(%arg10 : memref<128x128xf32, #tpu.memory_space<vmem>>) offsets(%dma_start3A_942 : memref<128xi32, #tpu.memory_space<vmem>>) semaphore(%arg12 : memref<!tpu.dma_semaphore, #tpu.memory_space<semaphore_mem>>)
    %dma_start3A_946 = arith.constant 3 : i32
    %dma_start3A_947 = arith.constant 0 : i32
    %dma_start3A_948 = tpu.memref_slice %arg9[%dma_start3A_946, %dma_start3A_947] : memref<4x128xi32, #tpu.memory_space<vmem>> -> memref<1x128xi32, #tpu.memory_space<vmem>>
    %dma_start3A_949 = tpu.memref_squeeze %dma_start3A_948 : memref<1x128xi32, #tpu.memory_space<vmem>> -> memref<128xi32, #tpu.memory_space<vmem>>
    %dma_start3A_950 = arith.constant 0 : i32
    %dma_start3A_951 = arith.constant 0 : i32
    %dma_start3A_952 = tpu.memref_slice %arg4[%dma_start3A_950, %dma_start3A_951] : memref<500000x128xf32, #tpu.memory_space<hbm>> -> memref<500000x128xf32, #tpu.memory_space<hbm>>
    tpu.enqueue_indirect_dma source(%dma_start3A_952 : memref<500000x128xf32, #tpu.memory_space<hbm>>) target(%arg11 : memref<128x128xf32, #tpu.memory_space<vmem>>) offsets(%dma_start3A_949 : memref<128xi32, #tpu.memory_space<vmem>>) semaphore(%arg13 : memref<!tpu.dma_semaphore, #tpu.memory_space<semaphore_mem>>)
    %dma_wait3A_953 = arith.constant 3 : i32
    %dma_wait3A_954 = arith.constant 0 : i32
    %dma_wait3A_955 = tpu.memref_slice %arg8[%dma_wait3A_953, %dma_wait3A_954] : memref<4x128xi32, #tpu.memory_space<vmem>> -> memref<1x128xi32, #tpu.memory_space<vmem>>
    %dma_wait3A_956 = tpu.memref_squeeze %dma_wait3A_955 : memref<1x128xi32, #tpu.memory_space<vmem>> -> memref<128xi32, #tpu.memory_space<vmem>>
    %dma_wait3A_957 = arith.constant 0 : i32
    %dma_wait3A_958 = arith.constant 0 : i32
    %dma_wait3A_959 = tpu.memref_slice %arg3[%dma_wait3A_957, %dma_wait3A_958] : memref<250000x128xf32, #tpu.memory_space<hbm>> -> memref<250000x128xf32, #tpu.memory_space<hbm>>
    tpu.wait_indirect_dma semaphore(%arg12 : memref<!tpu.dma_semaphore, #tpu.memory_space<semaphore_mem>>) src(%dma_wait3A_959 : memref<250000x128xf32, #tpu.memory_space<hbm>>) dst(%arg10 : memref<128x128xf32, #tpu.memory_space<vmem>>)
    %dma_wait3A_960 = arith.constant 3 : i32
    %dma_wait3A_961 = arith.constant 0 : i32
    %dma_wait3A_962 = tpu.memref_slice %arg9[%dma_wait3A_960, %dma_wait3A_961] : memref<4x128xi32, #tpu.memory_space<vmem>> -> memref<1x128xi32, #tpu.memory_space<vmem>>
    %dma_wait3A_963 = tpu.memref_squeeze %dma_wait3A_962 : memref<1x128xi32, #tpu.memory_space<vmem>> -> memref<128xi32, #tpu.memory_space<vmem>>
    %dma_wait3A_964 = arith.constant 0 : i32
    %dma_wait3A_965 = arith.constant 0 : i32
    %dma_wait3A_966 = tpu.memref_slice %arg4[%dma_wait3A_964, %dma_wait3A_965] : memref<500000x128xf32, #tpu.memory_space<hbm>> -> memref<500000x128xf32, #tpu.memory_space<hbm>>
    tpu.wait_indirect_dma semaphore(%arg13 : memref<!tpu.dma_semaphore, #tpu.memory_space<semaphore_mem>>) src(%dma_wait3A_966 : memref<500000x128xf32, #tpu.memory_space<hbm>>) dst(%arg11 : memref<128x128xf32, #tpu.memory_space<vmem>>)
    "tpu.region"() ({
      %run_scoped3A = tpu.sem_alloc : memref<!tpu.dma_semaphore, #tpu.memory_space<semaphore_mem>>
      %dma_start3A_967 = arith.constant 0 : i32
      %dma_start3A_968 = tpu.memref_slice %arg5[%multiple_of3A_938, %dma_start3A_967] : memref<16384x128xf32, #tpu.memory_space<hbm>> -> memref<128x128xf32, #tpu.memory_space<hbm>>
      %dma_start3A_969 = arith.constant 0 : i32
      %dma_start3A_970 = tpu.memref_slice %arg5[%multiple_of3A_938, %dma_start3A_969] : memref<16384x128xf32, #tpu.memory_space<hbm>> -> memref<128x128xf32, #tpu.memory_space<hbm>>
      tpu.enqueue_dma source(%arg10 : memref<128x128xf32, #tpu.memory_space<vmem>>) target(%dma_start3A_970 : memref<128x128xf32, #tpu.memory_space<hbm>>) target_semaphore(%run_scoped3A : memref<!tpu.dma_semaphore, #tpu.memory_space<semaphore_mem>>)
      %dma_wait3A_971 = arith.constant 0 : i32
      %dma_wait3A_972 = tpu.memref_slice %arg5[%multiple_of3A_938, %dma_wait3A_971] : memref<16384x128xf32, #tpu.memory_space<hbm>> -> memref<128x128xf32, #tpu.memory_space<hbm>>
      %dma_wait3A_973 = arith.constant 0 : i32
      %dma_wait3A_974 = tpu.memref_slice %arg5[%multiple_of3A_938, %dma_wait3A_973] : memref<16384x128xf32, #tpu.memory_space<hbm>> -> memref<128x128xf32, #tpu.memory_space<hbm>>
      tpu.wait_dma2 semaphore(%run_scoped3A : memref<!tpu.dma_semaphore, #tpu.memory_space<semaphore_mem>>) src(%arg10 : memref<128x128xf32, #tpu.memory_space<vmem>>) dst(%dma_wait3A_974 : memref<128x128xf32, #tpu.memory_space<hbm>>)
      tpu.yield
    }) : () -> ()
    "tpu.region"() ({
      %run_scoped3A = tpu.sem_alloc : memref<!tpu.dma_semaphore, #tpu.memory_space<semaphore_mem>>
      %dma_start3A_967 = arith.constant 0 : i32
      %dma_start3A_968 = tpu.memref_slice %arg6[%multiple_of3A_938, %dma_start3A_967] : memref<16384x128xf32, #tpu.memory_space<hbm>> -> memref<128x128xf32, #tpu.memory_space<hbm>>
      %dma_start3A_969 = arith.constant 0 : i32
      %dma_start3A_970 = tpu.memref_slice %arg6[%multiple_of3A_938, %dma_start3A_969] : memref<16384x128xf32, #tpu.memory_space<hbm>> -> memref<128x128xf32, #tpu.memory_space<hbm>>
      tpu.enqueue_dma source(%arg11 : memref<128x128xf32, #tpu.memory_space<vmem>>) target(%dma_start3A_970 : memref<128x128xf32, #tpu.memory_space<hbm>>) target_semaphore(%run_scoped3A : memref<!tpu.dma_semaphore, #tpu.memory_space<semaphore_mem>>)
      %dma_wait3A_971 = arith.constant 0 : i32
      %dma_wait3A_972 = tpu.memref_slice %arg6[%multiple_of3A_938, %dma_wait3A_971] : memref<16384x128xf32, #tpu.memory_space<hbm>> -> memref<128x128xf32, #tpu.memory_space<hbm>>
      %dma_wait3A_973 = arith.constant 0 : i32
      %dma_wait3A_974 = tpu.memref_slice %arg6[%multiple_of3A_938, %dma_wait3A_973] : memref<16384x128xf32, #tpu.memory_space<hbm>> -> memref<128x128xf32, #tpu.memory_space<hbm>>
      tpu.wait_dma2 semaphore(%run_scoped3A : memref<!tpu.dma_semaphore, #tpu.memory_space<semaphore_mem>>) src(%arg11 : memref<128x128xf32, #tpu.memory_space<vmem>>) dst(%dma_wait3A_974 : memref<128x128xf32, #tpu.memory_space<hbm>>)
      tpu.yield
    }) : () -> ()
    return
  }
}

module attributes {stable_mosaic.version = 14 : i64} {
  func.func @_copy_body(%arg0: i32, %arg1: memref<4000x128xf32, #tpu.memory_space<vmem>>, %arg2: memref<4000x128xf32, #tpu.memory_space<vmem>>) attributes {dimension_semantics = [#tpu.dimension_semantics<arbitrary>], iteration_bounds = array<i64: 125>, scalar_prefetch = 0 : i64, scratch_operands = 0 : i64, tpu.core_type = #tpu.core_type<tc>, window_params = [{transform_indices = @transform_0, window_bounds = array<i64: 4000, 128>}, {transform_indices = @transform_1, window_bounds = array<i64: 4000, 128>}]} {
    %get3A = arith.constant 0 : index
    %get3A_0 = arith.constant 0 : index
    %get3A_1 = vector.load %arg1[%get3A, %get3A_0] : memref<4000x128xf32, #tpu.memory_space<vmem>>, vector<4000x128xf32>
    %swap3A = arith.constant 0 : index
    %swap3A_2 = arith.constant 0 : index
    %swap3A_3 = vector.load %arg2[%swap3A, %swap3A_2] : memref<4000x128xf32, #tpu.memory_space<vmem>>, vector<4000x128xf32>
    tpu.vector_store %arg2[%swap3A, %swap3A_2], %get3A_1 {strides = array<i32>} : memref<4000x128xf32, #tpu.memory_space<vmem>>, vector<4000x128xf32>,
    return
  }
  func.func @transform_0(%arg0: i32) -> (i32, i32) {
    %c0_i32 = arith.constant 0 : i32
    %c0_i32_0 = arith.constant 0 : i32
    return %arg0, %c0_i32 : i32, i32
  }
  func.func @transform_1(%arg0: i32) -> (i32, i32) {
    %c0_i32 = arith.constant 0 : i32
    %c0_i32_0 = arith.constant 0 : i32
    return %arg0, %c0_i32 : i32, i32
  }
}

module attributes {stable_mosaic.version = 14 : i64} {
  func.func @_rnn_body(%arg0: i32, %arg1: memref<1024x1xi32, #tpu.memory_space<vmem>>, %arg2: memref<1024x128xf32, #tpu.memory_space<vmem>>, %arg3: memref<1024x128xf32, #tpu.memory_space<vmem>>, %arg4: memref<2x32x32xf32, #tpu.memory_space<vmem>>, %arg5: memref<2x32x32xf32, #tpu.memory_space<vmem>>, %arg6: memref<2x32xf32, #tpu.memory_space<vmem>>, %arg7: memref<2x32xf32, #tpu.memory_space<vmem>>, %arg8: memref<32x32xf32, #tpu.memory_space<vmem>>, %arg9: memref<32xf32, #tpu.memory_space<vmem>>, %arg10: memref<1024x32xf32, #tpu.memory_space<vmem>>, %arg11: memref<1024x64xf32, #tpu.memory_space<vmem>>) attributes {dimension_semantics = [#tpu.dimension_semantics<arbitrary>], iteration_bounds = array<i64: 16>, scalar_prefetch = 0 : i64, scratch_operands = 0 : i64, tpu.core_type = #tpu.core_type<tc>, window_params = [{transform_indices = @transform_0, window_bounds = array<i64: 1024, 1>}, {transform_indices = @transform_1, window_bounds = array<i64: 1024, 128>}, {transform_indices = @transform_2, window_bounds = array<i64: 1024, 128>}, {pipeline_mode = #tpu.pipeline_mode<synchronous>, transform_indices = @transform_3, window_bounds = array<i64: 2, 32, 32>}, {pipeline_mode = #tpu.pipeline_mode<synchronous>, transform_indices = @transform_4, window_bounds = array<i64: 2, 32, 32>}, {pipeline_mode = #tpu.pipeline_mode<synchronous>, transform_indices = @transform_5, window_bounds = array<i64: 2, 32>}, {pipeline_mode = #tpu.pipeline_mode<synchronous>, transform_indices = @transform_6, window_bounds = array<i64: 2, 32>}, {pipeline_mode = #tpu.pipeline_mode<synchronous>, transform_indices = @transform_7, window_bounds = array<i64: 32, 32>}, {pipeline_mode = #tpu.pipeline_mode<synchronous>, transform_indices = @transform_8, window_bounds = array<i64: 32>}, {transform_indices = @transform_9, window_bounds = array<i64: 1024, 32>}, {transform_indices = @transform_10, window_bounds = array<i64: 1024, 64>}]} {
    %get3A = arith.constant 0 : index
    %get3A_0 = arith.constant 0 : index
    %get3A_1 = vector.load %arg1[%get3A, %get3A_0] : memref<1024x1xi32, #tpu.memory_space<vmem>>, vector<1024x1xi32>
    %get3A_2 = arith.constant 0 : index
    %get3A_3 = arith.constant 0 : index
    %get3A_4 = vector.load %arg2[%get3A_2, %get3A_3] : memref<1024x128xf32, #tpu.memory_space<vmem>>, vector<1024x128xf32>
    %get3A_5 = arith.constant 0 : index
    %get3A_6 = arith.constant 0 : index
    %get3A_7 = vector.load %arg3[%get3A_5, %get3A_6] : memref<1024x128xf32, #tpu.memory_space<vmem>>, vector<1024x128xf32>
    %and3A = arith.constant 3 : i32
    %and3A_8 = vector.broadcast %and3A : i32 to vector<1024x1xi32>
    %and3A_9 = arith.andi %get3A_1, %and3A_8 : vector<1024x1xi32>
    %eq3A = arith.constant 0 : i32
    %eq3A_10 = vector.broadcast %eq3A : i32 to vector<1024x1xi32>
    %eq3A_11 = arith.cmpi eq, %and3A_9, %eq3A_10 : vector<1024x1xi32>
    %slice3A = vector.extract_strided_slice %get3A_4 {offsets = [0, 0], sizes = [1024, 32], strides = [1, 1]} : vector<1024x128xf32> to vector<1024x32xf32>
    %eq3A_12 = arith.constant 1 : i32
    %eq3A_13 = vector.broadcast %eq3A_12 : i32 to vector<1024x1xi32>
    %eq3A_14 = arith.cmpi eq, %and3A_9, %eq3A_13 : vector<1024x1xi32>
    %slice3A_15 = vector.extract_strided_slice %get3A_4 {offsets = [0, 32], sizes = [1024, 32], strides = [1, 1]} : vector<1024x128xf32> to vector<1024x32xf32>
    %eq3A_16 = arith.constant 2 : i32
    %eq3A_17 = vector.broadcast %eq3A_16 : i32 to vector<1024x1xi32>
    %eq3A_18 = arith.cmpi eq, %and3A_9, %eq3A_17 : vector<1024x1xi32>
    %slice3A_19 = vector.extract_strided_slice %get3A_4 {offsets = [0, 64], sizes = [1024, 32], strides = [1, 1]} : vector<1024x128xf32> to vector<1024x32xf32>
    %slice3A_20 = vector.extract_strided_slice %get3A_4 {offsets = [0, 96], sizes = [1024, 32], strides = [1, 1]} : vector<1024x128xf32> to vector<1024x32xf32>
    %broadcast_in_dim3A = vector.shape_cast %eq3A_18 : vector<1024x1xi1> to vector<1024x1xi1>
    %broadcast_in_dim3A_21 = vector.broadcast %broadcast_in_dim3A : vector<1024x1xi1> to vector<1024x32xi1>
    %select_n3A = arith.select %broadcast_in_dim3A_21, %slice3A_19, %slice3A_20 : vector<1024x32xi1>, vector<1024x32xf32>
    %broadcast_in_dim3A_22 = vector.shape_cast %eq3A_14 : vector<1024x1xi1> to vector<1024x1xi1>
    %broadcast_in_dim3A_23 = vector.broadcast %broadcast_in_dim3A_22 : vector<1024x1xi1> to vector<1024x32xi1>
    %select_n3A_24 = arith.select %broadcast_in_dim3A_23, %slice3A_15, %select_n3A : vector<1024x32xi1>, vector<1024x32xf32>
    %broadcast_in_dim3A_25 = vector.shape_cast %eq3A_11 : vector<1024x1xi1> to vector<1024x1xi1>
    %broadcast_in_dim3A_26 = vector.broadcast %broadcast_in_dim3A_25 : vector<1024x1xi1> to vector<1024x32xi1>
    %select_n3A_27 = arith.select %broadcast_in_dim3A_26, %slice3A, %select_n3A_24 : vector<1024x32xi1>, vector<1024x32xf32>
    %and3A_28 = arith.constant 1 : i32
    %and3A_29 = vector.broadcast %and3A_28 : i32 to vector<1024x1xi32>
    %and3A_30 = arith.andi %get3A_1, %and3A_29 : vector<1024x1xi32>
    %eq3A_31 = arith.constant 0 : i32
    %eq3A_32 = vector.broadcast %eq3A_31 : i32 to vector<1024x1xi32>
    %eq3A_33 = arith.cmpi eq, %and3A_30, %eq3A_32 : vector<1024x1xi32>
    %slice3A_34 = vector.extract_strided_slice %get3A_7 {offsets = [0, 0], sizes = [1024, 64], strides = [1, 1]} : vector<1024x128xf32> to vector<1024x64xf32>
    %slice3A_35 = vector.extract_strided_slice %get3A_7 {offsets = [0, 64], sizes = [1024, 64], strides = [1, 1]} : vector<1024x128xf32> to vector<1024x64xf32>
    %broadcast_in_dim3A_36 = vector.shape_cast %eq3A_33 : vector<1024x1xi1> to vector<1024x1xi1>
    %broadcast_in_dim3A_37 = vector.broadcast %broadcast_in_dim3A_36 : vector<1024x1xi1> to vector<1024x64xi1>
    %select_n3A_38 = arith.select %broadcast_in_dim3A_37, %slice3A_34, %slice3A_35 : vector<1024x64xi1>, vector<1024x64xf32>
    %slice3A_39 = vector.extract_strided_slice %select_n3A_38 {offsets = [0, 0], sizes = [1024, 32], strides = [1, 1]} : vector<1024x64xf32> to vector<1024x32xf32>
    %slice3A_40 = vector.extract_strided_slice %select_n3A_38 {offsets = [0, 32], sizes = [1024, 32], strides = [1, 1]} : vector<1024x64xf32> to vector<1024x32xf32>
    %get3A_41 = arith.constant 0 : index
    %get3A_42 = arith.constant 0 : index
    %get3A_43 = arith.constant 0 : index
    %get3A_44 = vector.load %arg4[%get3A_41, %get3A_42, %get3A_43] : memref<2x32x32xf32, #tpu.memory_space<vmem>>, vector<1x32x32xf32>
    %get3A_45 = vector.shape_cast %get3A_44 : vector<1x32x32xf32> to vector<32x32xf32>
    %dot_general3A = arith.constant dense<0.000000e+00> : vector<1024x32xf32>
    %dot_general3A_46 = tpu.matmul %select_n3A_27, %get3A_45, %dot_general3A {dimension_numbers = #tpu.dot_dimension_numbers<[1], [0], [0], [1], [0, 0, 1, 1], [], []>, transpose_lhs_hint = false} : vector<1024x32xf32>, vector<32x32xf32>, vector<1024x32xf32> -> vector<1024x32xf32>
    %get3A_47 = arith.constant 0 : index
    %get3A_48 = arith.constant 0 : index
    %get3A_49 = arith.constant 0 : index
    %get3A_50 = vector.load %arg5[%get3A_47, %get3A_48, %get3A_49] : memref<2x32x32xf32, #tpu.memory_space<vmem>>, vector<1x32x32xf32>
    %get3A_51 = vector.shape_cast %get3A_50 : vector<1x32x32xf32> to vector<32x32xf32>
    %dot_general3A_52 = arith.constant dense<0.000000e+00> : vector<1024x32xf32>
    %dot_general3A_53 = tpu.matmul %slice3A_39, %get3A_51, %dot_general3A_52 {dimension_numbers = #tpu.dot_dimension_numbers<[1], [0], [0], [1], [0, 0, 1, 1], [], []>, transpose_lhs_hint = false} : vector<1024x32xf32>, vector<32x32xf32>, vector<1024x32xf32> -> vector<1024x32xf32>
    %add3A = arith.addf %dot_general3A_46, %dot_general3A_53 : vector<1024x32xf32>
    %get3A_54 = arith.constant 0 : index
    %get3A_55 = arith.constant 0 : index
    %get3A_56 = vector.load %arg6[%get3A_54, %get3A_55] : memref<2x32xf32, #tpu.memory_space<vmem>>, vector<1x32xf32>
    %get3A_57 = vector.shape_cast %get3A_56 : vector<1x32xf32> to vector<32xf32>
    %get3A_58 = arith.constant 0 : index
    %get3A_59 = arith.constant 0 : index
    %get3A_60 = vector.load %arg7[%get3A_58, %get3A_59] : memref<2x32xf32, #tpu.memory_space<vmem>>, vector<1x32xf32>
    %get3A_61 = vector.shape_cast %get3A_60 : vector<1x32xf32> to vector<32xf32>
    %add3A_62 = arith.addf %get3A_57, %get3A_61 : vector<32xf32>
    %broadcast_in_dim3A_63 = vector.shape_cast %add3A_62 : vector<32xf32> to vector<1x32xf32>
    %add3A_64 = vector.broadcast %broadcast_in_dim3A_63 : vector<1x32xf32> to vector<1024x32xf32>
    %add3A_65 = arith.addf %add3A, %add3A_64 : vector<1024x32xf32>
    %tanh3A = math.tanh %add3A_65 : vector<1024x32xf32>
    %get3A_66 = arith.constant 1 : index
    %get3A_67 = arith.constant 0 : index
    %get3A_68 = arith.constant 0 : index
    %get3A_69 = vector.load %arg4[%get3A_66, %get3A_67, %get3A_68] : memref<2x32x32xf32, #tpu.memory_space<vmem>>, vector<1x32x32xf32>
    %get3A_70 = vector.shape_cast %get3A_69 : vector<1x32x32xf32> to vector<32x32xf32>
    %dot_general3A_71 = arith.constant dense<0.000000e+00> : vector<1024x32xf32>
    %dot_general3A_72 = tpu.matmul %tanh3A, %get3A_70, %dot_general3A_71 {dimension_numbers = #tpu.dot_dimension_numbers<[1], [0], [0], [1], [0, 0, 1, 1], [], []>, transpose_lhs_hint = false} : vector<1024x32xf32>, vector<32x32xf32>, vector<1024x32xf32> -> vector<1024x32xf32>
    %get3A_73 = arith.constant 1 : index
    %get3A_74 = arith.constant 0 : index
    %get3A_75 = arith.constant 0 : index
    %get3A_76 = vector.load %arg5[%get3A_73, %get3A_74, %get3A_75] : memref<2x32x32xf32, #tpu.memory_space<vmem>>, vector<1x32x32xf32>
    %get3A_77 = vector.shape_cast %get3A_76 : vector<1x32x32xf32> to vector<32x32xf32>
    %dot_general3A_78 = arith.constant dense<0.000000e+00> : vector<1024x32xf32>
    %dot_general3A_79 = tpu.matmul %slice3A_40, %get3A_77, %dot_general3A_78 {dimension_numbers = #tpu.dot_dimension_numbers<[1], [0], [0], [1], [0, 0, 1, 1], [], []>, transpose_lhs_hint = false} : vector<1024x32xf32>, vector<32x32xf32>, vector<1024x32xf32> -> vector<1024x32xf32>
    %add3A_80 = arith.addf %dot_general3A_72, %dot_general3A_79 : vector<1024x32xf32>
    %get3A_81 = arith.constant 1 : index
    %get3A_82 = arith.constant 0 : index
    %get3A_83 = vector.load %arg6[%get3A_81, %get3A_82] : memref<2x32xf32, #tpu.memory_space<vmem>>, vector<1x32xf32>
    %get3A_84 = vector.shape_cast %get3A_83 : vector<1x32xf32> to vector<32xf32>
    %get3A_85 = arith.constant 1 : index
    %get3A_86 = arith.constant 0 : index
    %get3A_87 = vector.load %arg7[%get3A_85, %get3A_86] : memref<2x32xf32, #tpu.memory_space<vmem>>, vector<1x32xf32>
    %get3A_88 = vector.shape_cast %get3A_87 : vector<1x32xf32> to vector<32xf32>
    %add3A_89 = arith.addf %get3A_84, %get3A_88 : vector<32xf32>
    %broadcast_in_dim3A_90 = vector.shape_cast %add3A_89 : vector<32xf32> to vector<1x32xf32>
    %add3A_91 = vector.broadcast %broadcast_in_dim3A_90 : vector<1x32xf32> to vector<1024x32xf32>
    %add3A_92 = arith.addf %add3A_80, %add3A_91 : vector<1024x32xf32>
    %tanh3A_93 = math.tanh %add3A_92 : vector<1024x32xf32>
    %get3A_94 = arith.constant 0 : index
    %get3A_95 = arith.constant 0 : index
    %get3A_96 = vector.load %arg8[%get3A_94, %get3A_95] : memref<32x32xf32, #tpu.memory_space<vmem>>, vector<32x32xf32>
    %dot_general3A_97 = arith.constant dense<0.000000e+00> : vector<1024x32xf32>
    %dot_general3A_98 = tpu.matmul %tanh3A_93, %get3A_96, %dot_general3A_97 {dimension_numbers = #tpu.dot_dimension_numbers<[1], [0], [0], [1], [0, 0, 1, 1], [], []>, transpose_lhs_hint = false} : vector<1024x32xf32>, vector<32x32xf32>, vector<1024x32xf32> -> vector<1024x32xf32>
    %get3A_99 = arith.constant 0 : index
    %get3A_100 = vector.load %arg9[%get3A_99] : memref<32xf32, #tpu.memory_space<vmem>>, vector<32xf32>
    %broadcast_in_dim3A_101 = vector.shape_cast %get3A_100 : vector<32xf32> to vector<1x32xf32>
    %add3A_102 = vector.broadcast %broadcast_in_dim3A_101 : vector<1x32xf32> to vector<1024x32xf32>
    %add3A_103 = arith.addf %dot_general3A_98, %add3A_102 : vector<1024x32xf32>
    %swap3A = arith.constant 0 : index
    %swap3A_104 = arith.constant 0 : index
    %swap3A_105 = vector.load %arg10[%swap3A, %swap3A_104] : memref<1024x32xf32, #tpu.memory_space<vmem>>, vector<1024x32xf32>
    tpu.vector_store %arg10[%swap3A, %swap3A_104], %add3A_103 {strides = array<i32>} : memref<1024x32xf32, #tpu.memory_space<vmem>>, vector<1024x32xf32>,
    %swap3A_106 = arith.constant 0 : index
    %swap3A_107 = arith.constant 0 : index
    %swap3A_108 = vector.load %arg11[%swap3A_106, %swap3A_107] : memref<1024x64xf32, #tpu.memory_space<vmem>>, vector<1024x32xf32>
    tpu.vector_store %arg11[%swap3A_106, %swap3A_107], %tanh3A {strides = array<i32>} : memref<1024x64xf32, #tpu.memory_space<vmem>>, vector<1024x32xf32>,
    %swap3A_109 = arith.constant 0 : index
    %swap3A_110 = arith.constant 32 : index
    %swap3A_111 = vector.load %arg11[%swap3A_109, %swap3A_110] : memref<1024x64xf32, #tpu.memory_space<vmem>>, vector<1024x32xf32>
    tpu.vector_store %arg11[%swap3A_109, %swap3A_110], %tanh3A_93 {strides = array<i32>} : memref<1024x64xf32, #tpu.memory_space<vmem>>, vector<1024x32xf32>,
    return
  }
  func.func @transform_0(%arg0: i32) -> (i32, i32) {
    %c0_i32 = arith.constant 0 : i32
    %c0_i32_0 = arith.constant 0 : i32
    return %arg0, %c0_i32 : i32, i32
  }
  func.func @transform_1(%arg0: i32) -> (i32, i32) {
    %c0_i32 = arith.constant 0 : i32
    %c0_i32_0 = arith.constant 0 : i32
    return %arg0, %c0_i32 : i32, i32
  }
  func.func @transform_2(%arg0: i32) -> (i32, i32) {
    %c0_i32 = arith.constant 0 : i32
    %c0_i32_0 = arith.constant 0 : i32
    return %arg0, %c0_i32 : i32, i32
  }
  func.func @transform_3(%arg0: i32) -> (i32, i32, i32) {
    %c0_i32 = arith.constant 0 : i32
    %c0_i32_0 = arith.constant 0 : i32
    %c0_i32_1 = arith.constant 0 : i32
    %c0_i32_2 = arith.constant 0 : i32
    return %c0_i32, %c0_i32_0, %c0_i32_1 : i32, i32, i32
  }
  func.func @transform_4(%arg0: i32) -> (i32, i32, i32) {
    %c0_i32 = arith.constant 0 : i32
    %c0_i32_0 = arith.constant 0 : i32
    %c0_i32_1 = arith.constant 0 : i32
    %c0_i32_2 = arith.constant 0 : i32
    return %c0_i32, %c0_i32_0, %c0_i32_1 : i32, i32, i32
  }
  func.func @transform_5(%arg0: i32) -> (i32, i32) {
    %c0_i32 = arith.constant 0 : i32
    %c0_i32_0 = arith.constant 0 : i32
    %c0_i32_1 = arith.constant 0 : i32
    return %c0_i32, %c0_i32_0 : i32, i32
  }
  func.func @transform_6(%arg0: i32) -> (i32, i32) {
    %c0_i32 = arith.constant 0 : i32
    %c0_i32_0 = arith.constant 0 : i32
    %c0_i32_1 = arith.constant 0 : i32
    return %c0_i32, %c0_i32_0 : i32, i32
  }
  func.func @transform_7(%arg0: i32) -> (i32, i32) {
    %c0_i32 = arith.constant 0 : i32
    %c0_i32_0 = arith.constant 0 : i32
    %c0_i32_1 = arith.constant 0 : i32
    return %c0_i32, %c0_i32_0 : i32, i32
  }
  func.func @transform_8(%arg0: i32) -> i32 {
    %c0_i32 = arith.constant 0 : i32
    %c0_i32_0 = arith.constant 0 : i32
    return %c0_i32 : i32
  }
  func.func @transform_9(%arg0: i32) -> (i32, i32) {
    %c0_i32 = arith.constant 0 : i32
    %c0_i32_0 = arith.constant 0 : i32
    return %arg0, %c0_i32 : i32, i32
  }
  func.func @transform_10(%arg0: i32) -> (i32, i32) {
    %c0_i32 = arith.constant 0 : i32
    %c0_i32_0 = arith.constant 0 : i32
    return %arg0, %c0_i32 : i32, i32
  }
}

module attributes {stable_mosaic.version = 14 : i64} {
  func.func @_scatter_body(%arg0: i32, %arg1: memref<16384xi32, #tpu.memory_space<smem>>, %arg2: memref<1000000x64xf32, #tpu.memory_space<hbm>>, %arg3: memref<128x64xf32, #tpu.memory_space<vmem>>, %arg4: memref<1000000x64xf32, #tpu.memory_space<hbm>>, %arg5: memref<8x!tpu.dma_semaphore, #tpu.memory_space<semaphore_mem>>) attributes {dimension_semantics = [#tpu.dimension_semantics<arbitrary>], iteration_bounds = array<i64: 128>, scalar_prefetch = 1 : i64, scratch_operands = 1 : i64, tpu.core_type = #tpu.core_type<tc>, window_params = [{}, {transform_indices = @transform_1, window_bounds = array<i64: 128, 64>}, {}]} {
    %scan3A = arith.constant 0 : i32
    %scan3A_0 = arith.constant 16 : i32
    %scan3A_1 = arith.addi %scan3A, %scan3A_0 : i32
    %scan3A_2 = arith.constant 1 : i32
    scf.for %scan3A_75 = %scan3A to %scan3A_1 step %scan3A_2  : i32 {
      %mul3A = arith.constant 8 : i32
      %mul3A_76 = arith.muli %scan3A_75, %mul3A : i32
      %add3A = arith.constant 0 : i32
      %add3A_77 = arith.addi %mul3A_76, %add3A : i32
      %mul3A_78 = arith.constant 128 : i32
      %mul3A_79 = arith.muli %arg0, %mul3A_78 : i32
      %add3A_80 = arith.addi %mul3A_79, %add3A_77 : i32
      %get3A = arith.index_cast %add3A_80 : i32 to index
      %get3A_81 = memref.load %arg1[%get3A] : memref<16384xi32, #tpu.memory_space<smem>>
      %ge3A = arith.constant 1 : i32
      %ge3A_82 = arith.cmpi sge, %scan3A_75, %ge3A : i32
      %convert_element_type3A = arith.extui %ge3A_82 : i1 to i32
      %cond3A = arith.constant 0 : i32
      %cond3A_83 = arith.constant 0 : i32
      %cond3A_84 = arith.cmpi ne, %convert_element_type3A, %cond3A_83 : i32
      scf.if %cond3A_84 {
        %dma_wait3A_245 = tpu.memref_slice %arg5[%cond3A] : memref<8x!tpu.dma_semaphore, #tpu.memory_space<semaphore_mem>> -> memref<1x!tpu.dma_semaphore, #tpu.memory_space<semaphore_mem>>
        %dma_wait3A_246 = tpu.memref_squeeze %dma_wait3A_245 : memref<1x!tpu.dma_semaphore, #tpu.memory_space<semaphore_mem>> -> memref<!tpu.dma_semaphore, #tpu.memory_space<semaphore_mem>>
        %dma_wait3A_247 = arith.constant 0 : i32
        %dma_wait3A_248 = tpu.memref_slice %arg4[%get3A_81, %dma_wait3A_247] : memref<1000000x64xf32, #tpu.memory_space<hbm>> -> memref<1x64xf32, #tpu.memory_space<hbm>>
        %dma_wait3A_249 = arith.constant 0 : i32
        %dma_wait3A_250 = tpu.memref_slice %arg3[%add3A_77, %dma_wait3A_249] : memref<128x64xf32, #tpu.memory_space<vmem>> -> memref<1x64xf32, #tpu.memory_space<vmem>>
        tpu.wait_dma2 semaphore(%dma_wait3A_246 : memref<!tpu.dma_semaphore, #tpu.memory_space<semaphore_mem>>) src(%dma_wait3A_250 : memref<1x64xf32, #tpu.memory_space<vmem>>) dst(%dma_wait3A_248 : memref<1x64xf32, #tpu.memory_space<hbm>>)
      } else {
      }
      %dma_start3A = arith.constant 0 : i32
      %dma_start3A_85 = tpu.memref_slice %arg5[%dma_start3A] : memref<8x!tpu.dma_semaphore, #tpu.memory_space<semaphore_mem>> -> memref<1x!tpu.dma_semaphore, #tpu.memory_space<semaphore_mem>>
      %dma_start3A_86 = tpu.memref_squeeze %dma_start3A_85 : memref<1x!tpu.dma_semaphore, #tpu.memory_space<semaphore_mem>> -> memref<!tpu.dma_semaphore, #tpu.memory_space<semaphore_mem>>
      %dma_start3A_87 = arith.constant 0 : i32
      %dma_start3A_88 = tpu.memref_slice %arg4[%get3A_81, %dma_start3A_87] : memref<1000000x64xf32, #tpu.memory_space<hbm>> -> memref<1x64xf32, #tpu.memory_space<hbm>>
      %dma_start3A_89 = arith.constant 0 : i32
      %dma_start3A_90 = tpu.memref_slice %arg3[%add3A_77, %dma_start3A_89] : memref<128x64xf32, #tpu.memory_space<vmem>> -> memref<1x64xf32, #tpu.memory_space<vmem>>
      tpu.enqueue_dma source(%dma_start3A_90 : memref<1x64xf32, #tpu.memory_space<vmem>>) target(%dma_start3A_88 : memref<1x64xf32, #tpu.memory_space<hbm>>) target_semaphore(%dma_start3A_86 : memref<!tpu.dma_semaphore, #tpu.memory_space<semaphore_mem>>)
      %mul3A_91 = arith.constant 8 : i32
      %mul3A_92 = arith.muli %scan3A_75, %mul3A_91 : i32
      %add3A_93 = arith.constant 1 : i32
      %add3A_94 = arith.addi %mul3A_92, %add3A_93 : i32
      %mul3A_95 = arith.constant 128 : i32
      %mul3A_96 = arith.muli %arg0, %mul3A_95 : i32
      %add3A_97 = arith.addi %mul3A_96, %add3A_94 : i32
      %get3A_98 = arith.index_cast %add3A_97 : i32 to index
      %get3A_99 = memref.load %arg1[%get3A_98] : memref<16384xi32, #tpu.memory_space<smem>>
      %ge3A_100 = arith.constant 1 : i32
      %ge3A_101 = arith.cmpi sge, %scan3A_75, %ge3A_100 : i32
      %convert_element_type3A_102 = arith.extui %ge3A_101 : i1 to i32
      %cond3A_103 = arith.constant 1 : i32
      %cond3A_104 = arith.constant 0 : i32
      %cond3A_105 = arith.cmpi ne, %convert_element_type3A_102, %cond3A_104 : i32
      scf.if %cond3A_105 {
        %dma_wait3A_245 = tpu.memref_slice %arg5[%cond3A_103] : memref<8x!tpu.dma_semaphore, #tpu.memory_space<semaphore_mem>> -> memref<1x!tpu.dma_semaphore, #tpu.memory_space<semaphore_mem>>
        %dma_wait3A_246 = tpu.memref_squeeze %dma_wait3A_245 : memref<1x!tpu.dma_semaphore, #tpu.memory_space<semaphore_mem>> -> memref<!tpu.dma_semaphore, #tpu.memory_space<semaphore_mem>>
        %dma_wait3A_247 = arith.constant 0 : i32
        %dma_wait3A_248 = tpu.memref_slice %arg4[%get3A_99, %dma_wait3A_247] : memref<1000000x64xf32, #tpu.memory_space<hbm>> -> memref<1x64xf32, #tpu.memory_space<hbm>>
        %dma_wait3A_249 = arith.constant 0 : i32
        %dma_wait3A_250 = tpu.memref_slice %arg3[%add3A_94, %dma_wait3A_249] : memref<128x64xf32, #tpu.memory_space<vmem>> -> memref<1x64xf32, #tpu.memory_space<vmem>>
        tpu.wait_dma2 semaphore(%dma_wait3A_246 : memref<!tpu.dma_semaphore, #tpu.memory_space<semaphore_mem>>) src(%dma_wait3A_250 : memref<1x64xf32, #tpu.memory_space<vmem>>) dst(%dma_wait3A_248 : memref<1x64xf32, #tpu.memory_space<hbm>>)
      } else {
      }
      %dma_start3A_106 = arith.constant 1 : i32
      %dma_start3A_107 = tpu.memref_slice %arg5[%dma_start3A_106] : memref<8x!tpu.dma_semaphore, #tpu.memory_space<semaphore_mem>> -> memref<1x!tpu.dma_semaphore, #tpu.memory_space<semaphore_mem>>
      %dma_start3A_108 = tpu.memref_squeeze %dma_start3A_107 : memref<1x!tpu.dma_semaphore, #tpu.memory_space<semaphore_mem>> -> memref<!tpu.dma_semaphore, #tpu.memory_space<semaphore_mem>>
      %dma_start3A_109 = arith.constant 0 : i32
      %dma_start3A_110 = tpu.memref_slice %arg4[%get3A_99, %dma_start3A_109] : memref<1000000x64xf32, #tpu.memory_space<hbm>> -> memref<1x64xf32, #tpu.memory_space<hbm>>
      %dma_start3A_111 = arith.constant 0 : i32
      %dma_start3A_112 = tpu.memref_slice %arg3[%add3A_94, %dma_start3A_111] : memref<128x64xf32, #tpu.memory_space<vmem>> -> memref<1x64xf32, #tpu.memory_space<vmem>>
      tpu.enqueue_dma source(%dma_start3A_112 : memref<1x64xf32, #tpu.memory_space<vmem>>) target(%dma_start3A_110 : memref<1x64xf32, #tpu.memory_space<hbm>>) target_semaphore(%dma_start3A_108 : memref<!tpu.dma_semaphore, #tpu.memory_space<semaphore_mem>>)
      %mul3A_113 = arith.constant 8 : i32
      %mul3A_114 = arith.muli %scan3A_75, %mul3A_113 : i32
      %add3A_115 = arith.constant 2 : i32
      %add3A_116 = arith.addi %mul3A_114, %add3A_115 : i32
      %mul3A_117 = arith.constant 128 : i32
      %mul3A_118 = arith.muli %arg0, %mul3A_117 : i32
      %add3A_119 = arith.addi %mul3A_118, %add3A_116 : i32
      %get3A_120 = arith.index_cast %add3A_119 : i32 to index
      %get3A_121 = memref.load %arg1[%get3A_120] : memref<16384xi32, #tpu.memory_space<smem>>
      %ge3A_122 = arith.constant 1 : i32
      %ge3A_123 = arith.cmpi sge, %scan3A_75, %ge3A_122 : i32
      %convert_element_type3A_124 = arith.extui %ge3A_123 : i1 to i32
      %cond3A_125 = arith.constant 2 : i32
      %cond3A_126 = arith.constant 0 : i32
      %cond3A_127 = arith.cmpi ne, %convert_element_type3A_124, %cond3A_126 : i32
      scf.if %cond3A_127 {
        %dma_wait3A_245 = tpu.memref_slice %arg5[%cond3A_125] : memref<8x!tpu.dma_semaphore, #tpu.memory_space<semaphore_mem>> -> memref<1x!tpu.dma_semaphore, #tpu.memory_space<semaphore_mem>>
        %dma_wait3A_246 = tpu.memref_squeeze %dma_wait3A_245 : memref<1x!tpu.dma_semaphore, #tpu.memory_space<semaphore_mem>> -> memref<!tpu.dma_semaphore, #tpu.memory_space<semaphore_mem>>
        %dma_wait3A_247 = arith.constant 0 : i32
        %dma_wait3A_248 = tpu.memref_slice %arg4[%get3A_121, %dma_wait3A_247] : memref<1000000x64xf32, #tpu.memory_space<hbm>> -> memref<1x64xf32, #tpu.memory_space<hbm>>
        %dma_wait3A_249 = arith.constant 0 : i32
        %dma_wait3A_250 = tpu.memref_slice %arg3[%add3A_116, %dma_wait3A_249] : memref<128x64xf32, #tpu.memory_space<vmem>> -> memref<1x64xf32, #tpu.memory_space<vmem>>
        tpu.wait_dma2 semaphore(%dma_wait3A_246 : memref<!tpu.dma_semaphore, #tpu.memory_space<semaphore_mem>>) src(%dma_wait3A_250 : memref<1x64xf32, #tpu.memory_space<vmem>>) dst(%dma_wait3A_248 : memref<1x64xf32, #tpu.memory_space<hbm>>)
      } else {
      }
      %dma_start3A_128 = arith.constant 2 : i32
      %dma_start3A_129 = tpu.memref_slice %arg5[%dma_start3A_128] : memref<8x!tpu.dma_semaphore, #tpu.memory_space<semaphore_mem>> -> memref<1x!tpu.dma_semaphore, #tpu.memory_space<semaphore_mem>>
      %dma_start3A_130 = tpu.memref_squeeze %dma_start3A_129 : memref<1x!tpu.dma_semaphore, #tpu.memory_space<semaphore_mem>> -> memref<!tpu.dma_semaphore, #tpu.memory_space<semaphore_mem>>
      %dma_start3A_131 = arith.constant 0 : i32
      %dma_start3A_132 = tpu.memref_slice %arg4[%get3A_121, %dma_start3A_131] : memref<1000000x64xf32, #tpu.memory_space<hbm>> -> memref<1x64xf32, #tpu.memory_space<hbm>>
      %dma_start3A_133 = arith.constant 0 : i32
      %dma_start3A_134 = tpu.memref_slice %arg3[%add3A_116, %dma_start3A_133] : memref<128x64xf32, #tpu.memory_space<vmem>> -> memref<1x64xf32, #tpu.memory_space<vmem>>
      tpu.enqueue_dma source(%dma_start3A_134 : memref<1x64xf32, #tpu.memory_space<vmem>>) target(%dma_start3A_132 : memref<1x64xf32, #tpu.memory_space<hbm>>) target_semaphore(%dma_start3A_130 : memref<!tpu.dma_semaphore, #tpu.memory_space<semaphore_mem>>)
      %mul3A_135 = arith.constant 8 : i32
      %mul3A_136 = arith.muli %scan3A_75, %mul3A_135 : i32
      %add3A_137 = arith.constant 3 : i32
      %add3A_138 = arith.addi %mul3A_136, %add3A_137 : i32
      %mul3A_139 = arith.constant 128 : i32
      %mul3A_140 = arith.muli %arg0, %mul3A_139 : i32
      %add3A_141 = arith.addi %mul3A_140, %add3A_138 : i32
      %get3A_142 = arith.index_cast %add3A_141 : i32 to index
      %get3A_143 = memref.load %arg1[%get3A_142] : memref<16384xi32, #tpu.memory_space<smem>>
      %ge3A_144 = arith.constant 1 : i32
      %ge3A_145 = arith.cmpi sge, %scan3A_75, %ge3A_144 : i32
      %convert_element_type3A_146 = arith.extui %ge3A_145 : i1 to i32
      %cond3A_147 = arith.constant 3 : i32
      %cond3A_148 = arith.constant 0 : i32
      %cond3A_149 = arith.cmpi ne, %convert_element_type3A_146, %cond3A_148 : i32
      scf.if %cond3A_149 {
        %dma_wait3A_245 = tpu.memref_slice %arg5[%cond3A_147] : memref<8x!tpu.dma_semaphore, #tpu.memory_space<semaphore_mem>> -> memref<1x!tpu.dma_semaphore, #tpu.memory_space<semaphore_mem>>
        %dma_wait3A_246 = tpu.memref_squeeze %dma_wait3A_245 : memref<1x!tpu.dma_semaphore, #tpu.memory_space<semaphore_mem>> -> memref<!tpu.dma_semaphore, #tpu.memory_space<semaphore_mem>>
        %dma_wait3A_247 = arith.constant 0 : i32
        %dma_wait3A_248 = tpu.memref_slice %arg4[%get3A_143, %dma_wait3A_247] : memref<1000000x64xf32, #tpu.memory_space<hbm>> -> memref<1x64xf32, #tpu.memory_space<hbm>>
        %dma_wait3A_249 = arith.constant 0 : i32
        %dma_wait3A_250 = tpu.memref_slice %arg3[%add3A_138, %dma_wait3A_249] : memref<128x64xf32, #tpu.memory_space<vmem>> -> memref<1x64xf32, #tpu.memory_space<vmem>>
        tpu.wait_dma2 semaphore(%dma_wait3A_246 : memref<!tpu.dma_semaphore, #tpu.memory_space<semaphore_mem>>) src(%dma_wait3A_250 : memref<1x64xf32, #tpu.memory_space<vmem>>) dst(%dma_wait3A_248 : memref<1x64xf32, #tpu.memory_space<hbm>>)
      } else {
      }
      %dma_start3A_150 = arith.constant 3 : i32
      %dma_start3A_151 = tpu.memref_slice %arg5[%dma_start3A_150] : memref<8x!tpu.dma_semaphore, #tpu.memory_space<semaphore_mem>> -> memref<1x!tpu.dma_semaphore, #tpu.memory_space<semaphore_mem>>
      %dma_start3A_152 = tpu.memref_squeeze %dma_start3A_151 : memref<1x!tpu.dma_semaphore, #tpu.memory_space<semaphore_mem>> -> memref<!tpu.dma_semaphore, #tpu.memory_space<semaphore_mem>>
      %dma_start3A_153 = arith.constant 0 : i32
      %dma_start3A_154 = tpu.memref_slice %arg4[%get3A_143, %dma_start3A_153] : memref<1000000x64xf32, #tpu.memory_space<hbm>> -> memref<1x64xf32, #tpu.memory_space<hbm>>
      %dma_start3A_155 = arith.constant 0 : i32
      %dma_start3A_156 = tpu.memref_slice %arg3[%add3A_138, %dma_start3A_155] : memref<128x64xf32, #tpu.memory_space<vmem>> -> memref<1x64xf32, #tpu.memory_space<vmem>>
      tpu.enqueue_dma source(%dma_start3A_156 : memref<1x64xf32, #tpu.memory_space<vmem>>) target(%dma_start3A_154 : memref<1x64xf32, #tpu.memory_space<hbm>>) target_semaphore(%dma_start3A_152 : memref<!tpu.dma_semaphore, #tpu.memory_space<semaphore_mem>>)
      %mul3A_157 = arith.constant 8 : i32
      %mul3A_158 = arith.muli %scan3A_75, %mul3A_157 : i32
      %add3A_159 = arith.constant 4 : i32
      %add3A_160 = arith.addi %mul3A_158, %add3A_159 : i32
      %mul3A_161 = arith.constant 128 : i32
      %mul3A_162 = arith.muli %arg0, %mul3A_161 : i32
      %add3A_163 = arith.addi %mul3A_162, %add3A_160 : i32
      %get3A_164 = arith.index_cast %add3A_163 : i32 to index
      %get3A_165 = memref.load %arg1[%get3A_164] : memref<16384xi32, #tpu.memory_space<smem>>
      %ge3A_166 = arith.constant 1 : i32
      %ge3A_167 = arith.cmpi sge, %scan3A_75, %ge3A_166 : i32
      %convert_element_type3A_168 = arith.extui %ge3A_167 : i1 to i32
      %cond3A_169 = arith.constant 4 : i32
      %cond3A_170 = arith.constant 0 : i32
      %cond3A_171 = arith.cmpi ne, %convert_element_type3A_168, %cond3A_170 : i32
      scf.if %cond3A_171 {
        %dma_wait3A_245 = tpu.memref_slice %arg5[%cond3A_169] : memref<8x!tpu.dma_semaphore, #tpu.memory_space<semaphore_mem>> -> memref<1x!tpu.dma_semaphore, #tpu.memory_space<semaphore_mem>>
        %dma_wait3A_246 = tpu.memref_squeeze %dma_wait3A_245 : memref<1x!tpu.dma_semaphore, #tpu.memory_space<semaphore_mem>> -> memref<!tpu.dma_semaphore, #tpu.memory_space<semaphore_mem>>
        %dma_wait3A_247 = arith.constant 0 : i32
        %dma_wait3A_248 = tpu.memref_slice %arg4[%get3A_165, %dma_wait3A_247] : memref<1000000x64xf32, #tpu.memory_space<hbm>> -> memref<1x64xf32, #tpu.memory_space<hbm>>
        %dma_wait3A_249 = arith.constant 0 : i32
        %dma_wait3A_250 = tpu.memref_slice %arg3[%add3A_160, %dma_wait3A_249] : memref<128x64xf32, #tpu.memory_space<vmem>> -> memref<1x64xf32, #tpu.memory_space<vmem>>
        tpu.wait_dma2 semaphore(%dma_wait3A_246 : memref<!tpu.dma_semaphore, #tpu.memory_space<semaphore_mem>>) src(%dma_wait3A_250 : memref<1x64xf32, #tpu.memory_space<vmem>>) dst(%dma_wait3A_248 : memref<1x64xf32, #tpu.memory_space<hbm>>)
      } else {
      }
      %dma_start3A_172 = arith.constant 4 : i32
      %dma_start3A_173 = tpu.memref_slice %arg5[%dma_start3A_172] : memref<8x!tpu.dma_semaphore, #tpu.memory_space<semaphore_mem>> -> memref<1x!tpu.dma_semaphore, #tpu.memory_space<semaphore_mem>>
      %dma_start3A_174 = tpu.memref_squeeze %dma_start3A_173 : memref<1x!tpu.dma_semaphore, #tpu.memory_space<semaphore_mem>> -> memref<!tpu.dma_semaphore, #tpu.memory_space<semaphore_mem>>
      %dma_start3A_175 = arith.constant 0 : i32
      %dma_start3A_176 = tpu.memref_slice %arg4[%get3A_165, %dma_start3A_175] : memref<1000000x64xf32, #tpu.memory_space<hbm>> -> memref<1x64xf32, #tpu.memory_space<hbm>>
      %dma_start3A_177 = arith.constant 0 : i32
      %dma_start3A_178 = tpu.memref_slice %arg3[%add3A_160, %dma_start3A_177] : memref<128x64xf32, #tpu.memory_space<vmem>> -> memref<1x64xf32, #tpu.memory_space<vmem>>
      tpu.enqueue_dma source(%dma_start3A_178 : memref<1x64xf32, #tpu.memory_space<vmem>>) target(%dma_start3A_176 : memref<1x64xf32, #tpu.memory_space<hbm>>) target_semaphore(%dma_start3A_174 : memref<!tpu.dma_semaphore, #tpu.memory_space<semaphore_mem>>)
      %mul3A_179 = arith.constant 8 : i32
      %mul3A_180 = arith.muli %scan3A_75, %mul3A_179 : i32
      %add3A_181 = arith.constant 5 : i32
      %add3A_182 = arith.addi %mul3A_180, %add3A_181 : i32
      %mul3A_183 = arith.constant 128 : i32
      %mul3A_184 = arith.muli %arg0, %mul3A_183 : i32
      %add3A_185 = arith.addi %mul3A_184, %add3A_182 : i32
      %get3A_186 = arith.index_cast %add3A_185 : i32 to index
      %get3A_187 = memref.load %arg1[%get3A_186] : memref<16384xi32, #tpu.memory_space<smem>>
      %ge3A_188 = arith.constant 1 : i32
      %ge3A_189 = arith.cmpi sge, %scan3A_75, %ge3A_188 : i32
      %convert_element_type3A_190 = arith.extui %ge3A_189 : i1 to i32
      %cond3A_191 = arith.constant 5 : i32
      %cond3A_192 = arith.constant 0 : i32
      %cond3A_193 = arith.cmpi ne, %convert_element_type3A_190, %cond3A_192 : i32
      scf.if %cond3A_193 {
        %dma_wait3A_245 = tpu.memref_slice %arg5[%cond3A_191] : memref<8x!tpu.dma_semaphore, #tpu.memory_space<semaphore_mem>> -> memref<1x!tpu.dma_semaphore, #tpu.memory_space<semaphore_mem>>
        %dma_wait3A_246 = tpu.memref_squeeze %dma_wait3A_245 : memref<1x!tpu.dma_semaphore, #tpu.memory_space<semaphore_mem>> -> memref<!tpu.dma_semaphore, #tpu.memory_space<semaphore_mem>>
        %dma_wait3A_247 = arith.constant 0 : i32
        %dma_wait3A_248 = tpu.memref_slice %arg4[%get3A_187, %dma_wait3A_247] : memref<1000000x64xf32, #tpu.memory_space<hbm>> -> memref<1x64xf32, #tpu.memory_space<hbm>>
        %dma_wait3A_249 = arith.constant 0 : i32
        %dma_wait3A_250 = tpu.memref_slice %arg3[%add3A_182, %dma_wait3A_249] : memref<128x64xf32, #tpu.memory_space<vmem>> -> memref<1x64xf32, #tpu.memory_space<vmem>>
        tpu.wait_dma2 semaphore(%dma_wait3A_246 : memref<!tpu.dma_semaphore, #tpu.memory_space<semaphore_mem>>) src(%dma_wait3A_250 : memref<1x64xf32, #tpu.memory_space<vmem>>) dst(%dma_wait3A_248 : memref<1x64xf32, #tpu.memory_space<hbm>>)
      } else {
      }
      %dma_start3A_194 = arith.constant 5 : i32
      %dma_start3A_195 = tpu.memref_slice %arg5[%dma_start3A_194] : memref<8x!tpu.dma_semaphore, #tpu.memory_space<semaphore_mem>> -> memref<1x!tpu.dma_semaphore, #tpu.memory_space<semaphore_mem>>
      %dma_start3A_196 = tpu.memref_squeeze %dma_start3A_195 : memref<1x!tpu.dma_semaphore, #tpu.memory_space<semaphore_mem>> -> memref<!tpu.dma_semaphore, #tpu.memory_space<semaphore_mem>>
      %dma_start3A_197 = arith.constant 0 : i32
      %dma_start3A_198 = tpu.memref_slice %arg4[%get3A_187, %dma_start3A_197] : memref<1000000x64xf32, #tpu.memory_space<hbm>> -> memref<1x64xf32, #tpu.memory_space<hbm>>
      %dma_start3A_199 = arith.constant 0 : i32
      %dma_start3A_200 = tpu.memref_slice %arg3[%add3A_182, %dma_start3A_199] : memref<128x64xf32, #tpu.memory_space<vmem>> -> memref<1x64xf32, #tpu.memory_space<vmem>>
      tpu.enqueue_dma source(%dma_start3A_200 : memref<1x64xf32, #tpu.memory_space<vmem>>) target(%dma_start3A_198 : memref<1x64xf32, #tpu.memory_space<hbm>>) target_semaphore(%dma_start3A_196 : memref<!tpu.dma_semaphore, #tpu.memory_space<semaphore_mem>>)
      %mul3A_201 = arith.constant 8 : i32
      %mul3A_202 = arith.muli %scan3A_75, %mul3A_201 : i32
      %add3A_203 = arith.constant 6 : i32
      %add3A_204 = arith.addi %mul3A_202, %add3A_203 : i32
      %mul3A_205 = arith.constant 128 : i32
      %mul3A_206 = arith.muli %arg0, %mul3A_205 : i32
      %add3A_207 = arith.addi %mul3A_206, %add3A_204 : i32
      %get3A_208 = arith.index_cast %add3A_207 : i32 to index
      %get3A_209 = memref.load %arg1[%get3A_208] : memref<16384xi32, #tpu.memory_space<smem>>
      %ge3A_210 = arith.constant 1 : i32
      %ge3A_211 = arith.cmpi sge, %scan3A_75, %ge3A_210 : i32
      %convert_element_type3A_212 = arith.extui %ge3A_211 : i1 to i32
      %cond3A_213 = arith.constant 6 : i32
      %cond3A_214 = arith.constant 0 : i32
      %cond3A_215 = arith.cmpi ne, %convert_element_type3A_212, %cond3A_214 : i32
      scf.if %cond3A_215 {
        %dma_wait3A_245 = tpu.memref_slice %arg5[%cond3A_213] : memref<8x!tpu.dma_semaphore, #tpu.memory_space<semaphore_mem>> -> memref<1x!tpu.dma_semaphore, #tpu.memory_space<semaphore_mem>>
        %dma_wait3A_246 = tpu.memref_squeeze %dma_wait3A_245 : memref<1x!tpu.dma_semaphore, #tpu.memory_space<semaphore_mem>> -> memref<!tpu.dma_semaphore, #tpu.memory_space<semaphore_mem>>
        %dma_wait3A_247 = arith.constant 0 : i32
        %dma_wait3A_248 = tpu.memref_slice %arg4[%get3A_209, %dma_wait3A_247] : memref<1000000x64xf32, #tpu.memory_space<hbm>> -> memref<1x64xf32, #tpu.memory_space<hbm>>
        %dma_wait3A_249 = arith.constant 0 : i32
        %dma_wait3A_250 = tpu.memref_slice %arg3[%add3A_204, %dma_wait3A_249] : memref<128x64xf32, #tpu.memory_space<vmem>> -> memref<1x64xf32, #tpu.memory_space<vmem>>
        tpu.wait_dma2 semaphore(%dma_wait3A_246 : memref<!tpu.dma_semaphore, #tpu.memory_space<semaphore_mem>>) src(%dma_wait3A_250 : memref<1x64xf32, #tpu.memory_space<vmem>>) dst(%dma_wait3A_248 : memref<1x64xf32, #tpu.memory_space<hbm>>)
      } else {
      }
      %dma_start3A_216 = arith.constant 6 : i32
      %dma_start3A_217 = tpu.memref_slice %arg5[%dma_start3A_216] : memref<8x!tpu.dma_semaphore, #tpu.memory_space<semaphore_mem>> -> memref<1x!tpu.dma_semaphore, #tpu.memory_space<semaphore_mem>>
      %dma_start3A_218 = tpu.memref_squeeze %dma_start3A_217 : memref<1x!tpu.dma_semaphore, #tpu.memory_space<semaphore_mem>> -> memref<!tpu.dma_semaphore, #tpu.memory_space<semaphore_mem>>
      %dma_start3A_219 = arith.constant 0 : i32
      %dma_start3A_220 = tpu.memref_slice %arg4[%get3A_209, %dma_start3A_219] : memref<1000000x64xf32, #tpu.memory_space<hbm>> -> memref<1x64xf32, #tpu.memory_space<hbm>>
      %dma_start3A_221 = arith.constant 0 : i32
      %dma_start3A_222 = tpu.memref_slice %arg3[%add3A_204, %dma_start3A_221] : memref<128x64xf32, #tpu.memory_space<vmem>> -> memref<1x64xf32, #tpu.memory_space<vmem>>
      tpu.enqueue_dma source(%dma_start3A_222 : memref<1x64xf32, #tpu.memory_space<vmem>>) target(%dma_start3A_220 : memref<1x64xf32, #tpu.memory_space<hbm>>) target_semaphore(%dma_start3A_218 : memref<!tpu.dma_semaphore, #tpu.memory_space<semaphore_mem>>)
      %mul3A_223 = arith.constant 8 : i32
      %mul3A_224 = arith.muli %scan3A_75, %mul3A_223 : i32
      %add3A_225 = arith.constant 7 : i32
      %add3A_226 = arith.addi %mul3A_224, %add3A_225 : i32
      %mul3A_227 = arith.constant 128 : i32
      %mul3A_228 = arith.muli %arg0, %mul3A_227 : i32
      %add3A_229 = arith.addi %mul3A_228, %add3A_226 : i32
      %get3A_230 = arith.index_cast %add3A_229 : i32 to index
      %get3A_231 = memref.load %arg1[%get3A_230] : memref<16384xi32, #tpu.memory_space<smem>>
      %ge3A_232 = arith.constant 1 : i32
      %ge3A_233 = arith.cmpi sge, %scan3A_75, %ge3A_232 : i32
      %convert_element_type3A_234 = arith.extui %ge3A_233 : i1 to i32
      %cond3A_235 = arith.constant 7 : i32
      %cond3A_236 = arith.constant 0 : i32
      %cond3A_237 = arith.cmpi ne, %convert_element_type3A_234, %cond3A_236 : i32
      scf.if %cond3A_237 {
        %dma_wait3A_245 = tpu.memref_slice %arg5[%cond3A_235] : memref<8x!tpu.dma_semaphore, #tpu.memory_space<semaphore_mem>> -> memref<1x!tpu.dma_semaphore, #tpu.memory_space<semaphore_mem>>
        %dma_wait3A_246 = tpu.memref_squeeze %dma_wait3A_245 : memref<1x!tpu.dma_semaphore, #tpu.memory_space<semaphore_mem>> -> memref<!tpu.dma_semaphore, #tpu.memory_space<semaphore_mem>>
        %dma_wait3A_247 = arith.constant 0 : i32
        %dma_wait3A_248 = tpu.memref_slice %arg4[%get3A_231, %dma_wait3A_247] : memref<1000000x64xf32, #tpu.memory_space<hbm>> -> memref<1x64xf32, #tpu.memory_space<hbm>>
        %dma_wait3A_249 = arith.constant 0 : i32
        %dma_wait3A_250 = tpu.memref_slice %arg3[%add3A_226, %dma_wait3A_249] : memref<128x64xf32, #tpu.memory_space<vmem>> -> memref<1x64xf32, #tpu.memory_space<vmem>>
        tpu.wait_dma2 semaphore(%dma_wait3A_246 : memref<!tpu.dma_semaphore, #tpu.memory_space<semaphore_mem>>) src(%dma_wait3A_250 : memref<1x64xf32, #tpu.memory_space<vmem>>) dst(%dma_wait3A_248 : memref<1x64xf32, #tpu.memory_space<hbm>>)
      } else {
      }
      %dma_start3A_238 = arith.constant 7 : i32
      %dma_start3A_239 = tpu.memref_slice %arg5[%dma_start3A_238] : memref<8x!tpu.dma_semaphore, #tpu.memory_space<semaphore_mem>> -> memref<1x!tpu.dma_semaphore, #tpu.memory_space<semaphore_mem>>
      %dma_start3A_240 = tpu.memref_squeeze %dma_start3A_239 : memref<1x!tpu.dma_semaphore, #tpu.memory_space<semaphore_mem>> -> memref<!tpu.dma_semaphore, #tpu.memory_space<semaphore_mem>>
      %dma_start3A_241 = arith.constant 0 : i32
      %dma_start3A_242 = tpu.memref_slice %arg4[%get3A_231, %dma_start3A_241] : memref<1000000x64xf32, #tpu.memory_space<hbm>> -> memref<1x64xf32, #tpu.memory_space<hbm>>
      %dma_start3A_243 = arith.constant 0 : i32
      %dma_start3A_244 = tpu.memref_slice %arg3[%add3A_226, %dma_start3A_243] : memref<128x64xf32, #tpu.memory_space<vmem>> -> memref<1x64xf32, #tpu.memory_space<vmem>>
      tpu.enqueue_dma source(%dma_start3A_244 : memref<1x64xf32, #tpu.memory_space<vmem>>) target(%dma_start3A_242 : memref<1x64xf32, #tpu.memory_space<hbm>>) target_semaphore(%dma_start3A_240 : memref<!tpu.dma_semaphore, #tpu.memory_space<semaphore_mem>>)
    }
    %scan3A_3 = arith.constant 16 : i32
    %dma_wait3A = arith.constant 0 : i32
    %dma_wait3A_4 = tpu.memref_slice %arg5[%dma_wait3A] : memref<8x!tpu.dma_semaphore, #tpu.memory_space<semaphore_mem>> -> memref<1x!tpu.dma_semaphore, #tpu.memory_space<semaphore_mem>>
    %dma_wait3A_5 = tpu.memref_squeeze %dma_wait3A_4 : memref<1x!tpu.dma_semaphore, #tpu.memory_space<semaphore_mem>> -> memref<!tpu.dma_semaphore, #tpu.memory_space<semaphore_mem>>
    %dma_wait3A_6 = arith.constant 0 : i32
    %dma_wait3A_7 = arith.constant 0 : i32
    %dma_wait3A_8 = tpu.memref_slice %arg4[%dma_wait3A_6, %dma_wait3A_7] : memref<1000000x64xf32, #tpu.memory_space<hbm>> -> memref<1x64xf32, #tpu.memory_space<hbm>>
    %dma_wait3A_9 = arith.constant 0 : i32
    %dma_wait3A_10 = arith.constant 0 : i32
    %dma_wait3A_11 = tpu.memref_slice %arg3[%dma_wait3A_9, %dma_wait3A_10] : memref<128x64xf32, #tpu.memory_space<vmem>> -> memref<1x64xf32, #tpu.memory_space<vmem>>
    tpu.wait_dma2 semaphore(%dma_wait3A_5 : memref<!tpu.dma_semaphore, #tpu.memory_space<semaphore_mem>>) src(%dma_wait3A_11 : memref<1x64xf32, #tpu.memory_space<vmem>>) dst(%dma_wait3A_8 : memref<1x64xf32, #tpu.memory_space<hbm>>)
    %dma_wait3A_12 = arith.constant 1 : i32
    %dma_wait3A_13 = tpu.memref_slice %arg5[%dma_wait3A_12] : memref<8x!tpu.dma_semaphore, #tpu.memory_space<semaphore_mem>> -> memref<1x!tpu.dma_semaphore, #tpu.memory_space<semaphore_mem>>
    %dma_wait3A_14 = tpu.memref_squeeze %dma_wait3A_13 : memref<1x!tpu.dma_semaphore, #tpu.memory_space<semaphore_mem>> -> memref<!tpu.dma_semaphore, #tpu.memory_space<semaphore_mem>>
    %dma_wait3A_15 = arith.constant 0 : i32
    %dma_wait3A_16 = arith.constant 0 : i32
    %dma_wait3A_17 = tpu.memref_slice %arg4[%dma_wait3A_15, %dma_wait3A_16] : memref<1000000x64xf32, #tpu.memory_space<hbm>> -> memref<1x64xf32, #tpu.memory_space<hbm>>
    %dma_wait3A_18 = arith.constant 0 : i32
    %dma_wait3A_19 = arith.constant 0 : i32
    %dma_wait3A_20 = tpu.memref_slice %arg3[%dma_wait3A_18, %dma_wait3A_19] : memref<128x64xf32, #tpu.memory_space<vmem>> -> memref<1x64xf32, #tpu.memory_space<vmem>>
    tpu.wait_dma2 semaphore(%dma_wait3A_14 : memref<!tpu.dma_semaphore, #tpu.memory_space<semaphore_mem>>) src(%dma_wait3A_20 : memref<1x64xf32, #tpu.memory_space<vmem>>) dst(%dma_wait3A_17 : memref<1x64xf32, #tpu.memory_space<hbm>>)
    %dma_wait3A_21 = arith.constant 2 : i32
    %dma_wait3A_22 = tpu.memref_slice %arg5[%dma_wait3A_21] : memref<8x!tpu.dma_semaphore, #tpu.memory_space<semaphore_mem>> -> memref<1x!tpu.dma_semaphore, #tpu.memory_space<semaphore_mem>>
    %dma_wait3A_23 = tpu.memref_squeeze %dma_wait3A_22 : memref<1x!tpu.dma_semaphore, #tpu.memory_space<semaphore_mem>> -> memref<!tpu.dma_semaphore, #tpu.memory_space<semaphore_mem>>
    %dma_wait3A_24 = arith.constant 0 : i32
    %dma_wait3A_25 = arith.constant 0 : i32
    %dma_wait3A_26 = tpu.memref_slice %arg4[%dma_wait3A_24, %dma_wait3A_25] : memref<1000000x64xf32, #tpu.memory_space<hbm>> -> memref<1x64xf32, #tpu.memory_space<hbm>>
    %dma_wait3A_27 = arith.constant 0 : i32
    %dma_wait3A_28 = arith.constant 0 : i32
    %dma_wait3A_29 = tpu.memref_slice %arg3[%dma_wait3A_27, %dma_wait3A_28] : memref<128x64xf32, #tpu.memory_space<vmem>> -> memref<1x64xf32, #tpu.memory_space<vmem>>
    tpu.wait_dma2 semaphore(%dma_wait3A_23 : memref<!tpu.dma_semaphore, #tpu.memory_space<semaphore_mem>>) src(%dma_wait3A_29 : memref<1x64xf32, #tpu.memory_space<vmem>>) dst(%dma_wait3A_26 : memref<1x64xf32, #tpu.memory_space<hbm>>)
    %dma_wait3A_30 = arith.constant 3 : i32
    %dma_wait3A_31 = tpu.memref_slice %arg5[%dma_wait3A_30] : memref<8x!tpu.dma_semaphore, #tpu.memory_space<semaphore_mem>> -> memref<1x!tpu.dma_semaphore, #tpu.memory_space<semaphore_mem>>
    %dma_wait3A_32 = tpu.memref_squeeze %dma_wait3A_31 : memref<1x!tpu.dma_semaphore, #tpu.memory_space<semaphore_mem>> -> memref<!tpu.dma_semaphore, #tpu.memory_space<semaphore_mem>>
    %dma_wait3A_33 = arith.constant 0 : i32
    %dma_wait3A_34 = arith.constant 0 : i32
    %dma_wait3A_35 = tpu.memref_slice %arg4[%dma_wait3A_33, %dma_wait3A_34] : memref<1000000x64xf32, #tpu.memory_space<hbm>> -> memref<1x64xf32, #tpu.memory_space<hbm>>
    %dma_wait3A_36 = arith.constant 0 : i32
    %dma_wait3A_37 = arith.constant 0 : i32
    %dma_wait3A_38 = tpu.memref_slice %arg3[%dma_wait3A_36, %dma_wait3A_37] : memref<128x64xf32, #tpu.memory_space<vmem>> -> memref<1x64xf32, #tpu.memory_space<vmem>>
    tpu.wait_dma2 semaphore(%dma_wait3A_32 : memref<!tpu.dma_semaphore, #tpu.memory_space<semaphore_mem>>) src(%dma_wait3A_38 : memref<1x64xf32, #tpu.memory_space<vmem>>) dst(%dma_wait3A_35 : memref<1x64xf32, #tpu.memory_space<hbm>>)
    %dma_wait3A_39 = arith.constant 4 : i32
    %dma_wait3A_40 = tpu.memref_slice %arg5[%dma_wait3A_39] : memref<8x!tpu.dma_semaphore, #tpu.memory_space<semaphore_mem>> -> memref<1x!tpu.dma_semaphore, #tpu.memory_space<semaphore_mem>>
    %dma_wait3A_41 = tpu.memref_squeeze %dma_wait3A_40 : memref<1x!tpu.dma_semaphore, #tpu.memory_space<semaphore_mem>> -> memref<!tpu.dma_semaphore, #tpu.memory_space<semaphore_mem>>
    %dma_wait3A_42 = arith.constant 0 : i32
    %dma_wait3A_43 = arith.constant 0 : i32
    %dma_wait3A_44 = tpu.memref_slice %arg4[%dma_wait3A_42, %dma_wait3A_43] : memref<1000000x64xf32, #tpu.memory_space<hbm>> -> memref<1x64xf32, #tpu.memory_space<hbm>>
    %dma_wait3A_45 = arith.constant 0 : i32
    %dma_wait3A_46 = arith.constant 0 : i32
    %dma_wait3A_47 = tpu.memref_slice %arg3[%dma_wait3A_45, %dma_wait3A_46] : memref<128x64xf32, #tpu.memory_space<vmem>> -> memref<1x64xf32, #tpu.memory_space<vmem>>
    tpu.wait_dma2 semaphore(%dma_wait3A_41 : memref<!tpu.dma_semaphore, #tpu.memory_space<semaphore_mem>>) src(%dma_wait3A_47 : memref<1x64xf32, #tpu.memory_space<vmem>>) dst(%dma_wait3A_44 : memref<1x64xf32, #tpu.memory_space<hbm>>)
    %dma_wait3A_48 = arith.constant 5 : i32
    %dma_wait3A_49 = tpu.memref_slice %arg5[%dma_wait3A_48] : memref<8x!tpu.dma_semaphore, #tpu.memory_space<semaphore_mem>> -> memref<1x!tpu.dma_semaphore, #tpu.memory_space<semaphore_mem>>
    %dma_wait3A_50 = tpu.memref_squeeze %dma_wait3A_49 : memref<1x!tpu.dma_semaphore, #tpu.memory_space<semaphore_mem>> -> memref<!tpu.dma_semaphore, #tpu.memory_space<semaphore_mem>>
    %dma_wait3A_51 = arith.constant 0 : i32
    %dma_wait3A_52 = arith.constant 0 : i32
    %dma_wait3A_53 = tpu.memref_slice %arg4[%dma_wait3A_51, %dma_wait3A_52] : memref<1000000x64xf32, #tpu.memory_space<hbm>> -> memref<1x64xf32, #tpu.memory_space<hbm>>
    %dma_wait3A_54 = arith.constant 0 : i32
    %dma_wait3A_55 = arith.constant 0 : i32
    %dma_wait3A_56 = tpu.memref_slice %arg3[%dma_wait3A_54, %dma_wait3A_55] : memref<128x64xf32, #tpu.memory_space<vmem>> -> memref<1x64xf32, #tpu.memory_space<vmem>>
    tpu.wait_dma2 semaphore(%dma_wait3A_50 : memref<!tpu.dma_semaphore, #tpu.memory_space<semaphore_mem>>) src(%dma_wait3A_56 : memref<1x64xf32, #tpu.memory_space<vmem>>) dst(%dma_wait3A_53 : memref<1x64xf32, #tpu.memory_space<hbm>>)
    %dma_wait3A_57 = arith.constant 6 : i32
    %dma_wait3A_58 = tpu.memref_slice %arg5[%dma_wait3A_57] : memref<8x!tpu.dma_semaphore, #tpu.memory_space<semaphore_mem>> -> memref<1x!tpu.dma_semaphore, #tpu.memory_space<semaphore_mem>>
    %dma_wait3A_59 = tpu.memref_squeeze %dma_wait3A_58 : memref<1x!tpu.dma_semaphore, #tpu.memory_space<semaphore_mem>> -> memref<!tpu.dma_semaphore, #tpu.memory_space<semaphore_mem>>
    %dma_wait3A_60 = arith.constant 0 : i32
    %dma_wait3A_61 = arith.constant 0 : i32
    %dma_wait3A_62 = tpu.memref_slice %arg4[%dma_wait3A_60, %dma_wait3A_61] : memref<1000000x64xf32, #tpu.memory_space<hbm>> -> memref<1x64xf32, #tpu.memory_space<hbm>>
    %dma_wait3A_63 = arith.constant 0 : i32
    %dma_wait3A_64 = arith.constant 0 : i32
    %dma_wait3A_65 = tpu.memref_slice %arg3[%dma_wait3A_63, %dma_wait3A_64] : memref<128x64xf32, #tpu.memory_space<vmem>> -> memref<1x64xf32, #tpu.memory_space<vmem>>
    tpu.wait_dma2 semaphore(%dma_wait3A_59 : memref<!tpu.dma_semaphore, #tpu.memory_space<semaphore_mem>>) src(%dma_wait3A_65 : memref<1x64xf32, #tpu.memory_space<vmem>>) dst(%dma_wait3A_62 : memref<1x64xf32, #tpu.memory_space<hbm>>)
    %dma_wait3A_66 = arith.constant 7 : i32
    %dma_wait3A_67 = tpu.memref_slice %arg5[%dma_wait3A_66] : memref<8x!tpu.dma_semaphore, #tpu.memory_space<semaphore_mem>> -> memref<1x!tpu.dma_semaphore, #tpu.memory_space<semaphore_mem>>
    %dma_wait3A_68 = tpu.memref_squeeze %dma_wait3A_67 : memref<1x!tpu.dma_semaphore, #tpu.memory_space<semaphore_mem>> -> memref<!tpu.dma_semaphore, #tpu.memory_space<semaphore_mem>>
    %dma_wait3A_69 = arith.constant 0 : i32
    %dma_wait3A_70 = arith.constant 0 : i32
    %dma_wait3A_71 = tpu.memref_slice %arg4[%dma_wait3A_69, %dma_wait3A_70] : memref<1000000x64xf32, #tpu.memory_space<hbm>> -> memref<1x64xf32, #tpu.memory_space<hbm>>
    %dma_wait3A_72 = arith.constant 0 : i32
    %dma_wait3A_73 = arith.constant 0 : i32
    %dma_wait3A_74 = tpu.memref_slice %arg3[%dma_wait3A_72, %dma_wait3A_73] : memref<128x64xf32, #tpu.memory_space<vmem>> -> memref<1x64xf32, #tpu.memory_space<vmem>>
    tpu.wait_dma2 semaphore(%dma_wait3A_68 : memref<!tpu.dma_semaphore, #tpu.memory_space<semaphore_mem>>) src(%dma_wait3A_74 : memref<1x64xf32, #tpu.memory_space<vmem>>) dst(%dma_wait3A_71 : memref<1x64xf32, #tpu.memory_space<hbm>>)
    return
  }
  func.func @transform_1(%arg0: i32, %arg1: memref<16384xi32, #tpu.memory_space<smem>>) -> (i32, i32) {
    %c0_i32 = arith.constant 0 : i32
    %c0_i32_0 = arith.constant 0 : i32
    return %arg0, %c0_i32 : i32, i32
  }
}

</mosaic_0001>

<sc_bundles>
// kernel: kernel.6.cloned.1.call-start
scs
__scs_entry_jumppad:
0x0: {  	(pc) =	sbr.rel $0x88, $3  }
0x1: {  	(tag) =	ssettag $0x0;
	lr =	simm.s32 $0x1  }
0x2: {  	[smem:$0x3F98] =	sst lr;
	_ =	strace $0xD0000000  }
0x3: {  	_ = 	snop  }
0x4: {  	_ = 	snop  }
0x5: {  	_ = 	snop  }
0x6: {  	_ = 	snop  }
0x7: {  	_ = 	snop  }
__scs_overlays_trampoline_lowered:
0x8: {  	[smem:$0x3FA7] =	sst s0  }
0x9: {  	[smem:$0x3FA8] =	sst s1  }
0xa: {  	[smem:$0x3FA9] =	sst s2  }
0xb: {  	[smem:$0x3FAA] =	sst s3  }
0xc: {  	[smem:$0x3FAB] =	sst s4  }
0xd: {  	[smem:$0x3FAC] =	sst s5  }
0xe: {  	[smem:$0x3FAD] =	sst s6  }
0xf: {  	[smem:$0x3FAE] =	sst s7  }
0x10: {  	[smem:$0x3FAF] =	sst s8  }
0x11: {  	[smem:$0x3FB0] =	sst s9;
	s0 =	simm.s32 @!p0 $0x0  }
0x12: {  	s1 =	sld [smem:$0x3F96];
	s0 =	simm.s32 @p0 $0x1  }
0x13: {  	[smem:$0x3FB1] =	sst s0;
	s0 =	simm.s32 @!p1 $0x0  }
0x14: {  	s2 =	sld [smem:$0x3F95];
	s0 =	simm.s32 @p1 $0x1  }
0x15: {  	[smem:$0x3FB2] =	sst s0;
	s0 =	simm.s32 @!p2 $0x0  }
0x16: {  	s3 =	sld [smem:$0x3FDB];
	s0 =	simm.s32 @p2 $0x1  }
0x17: {  	s4 =	simm.s32 $0x1BF5;
	[smem:$0x3FB4] =	sst s0  }
0x18: {  	s0 =	sld [smem:$0x3F97];
	_ =	swait.ge [sflag:s4], $0x0  }
0x19: {  	s7 =	sld [smem:$0x3F98]  }
0x1a: {  	s8 =	sadd.s32 $0xFFFFE003, lr  }
0x1b: {  	s9 =	sadd.s32 $0xFFFFFEF7, lr;
	s5 =	simm.s32 $0xFFFFFFFF;
	p2 =	slt.u32 s8, $0xFFFFF086  }
0x1c: {  	p1 =	slt.u32 s9, $0xF7A;
	s5 =	simm.s32 @!p2 $0x0  }
0x1d: {  	s5 =	simm.s32 @p1 $0x1;
	p0 =	seq.s32 s7, s2  }
0x1e: {  	s7 =	smul.u32 @!p0 $0xF7A, s2;
	p2 =	seq.s32 @!p0 s5, $0x0  }
0x1f: {  	s9 =	smul.u32 $0xF7A, s1;
	s8 =	simm.s32 @!p0 $0x1BF5;
	p2 =	por !p2, p0  }
0x20: {  	[sflag:s8] =	ssyncset.s32 @!p0 $0xFFFFF086;
	s6 =	sadd.s32 @!p0 s3, s7;
	s7 =	simm.s32 @!p0 $0x108  }
0x21: {  	s3 =	sadd.s32 s3, s9;
	s6 =	sadd.s32 @!p0 $0x88, s6;
	s7 =	simm.s32 @p2 $0x1082  }
0x22: {  	[simem:s7], [sflag:s8] =	dma.local @!p0 [hbm:s6], $0xF7A  }
0x23: {  	s9 =	sor.u32 $0xD0000000, s2;
	s6 =	simm.s32 $0x108;
	_ =	swait.ge @!p0 [sflag:s8], $0x0  }
0x24: {  	s3 =	sadd.s32 $0x88, s3;
	s6 =	simm.s32 @!p1 $0x1082;
	[sflag:s4] =	ssyncset.s32 $0xFFFFF086  }
0x25: {  	[simem:s6], [sflag:s4] =	dma.local [hbm:s3], $0xF7A  }
0x26: {  	[smem:$0x3F98] =	sst s1;
	(tag) =	ssettag s2;
	_ =	strace s9  }
0x27: {  	s1 =	sld [smem:$0x3FA8]  }
0x28: {  	s2 =	sld [smem:$0x3FA9]  }
0x29: {  	s4 =	sld [smem:$0x3FAB]  }
0x2a: {  	p0 =	seq.s32 s5, $0x0;
	s5 =	sld [smem:$0x3FAC]  }
0x2b: {  	s6 =	sld [smem:$0x3FAD]  }
0x2c: {  	s7 =	sld [smem:$0x3FAE]  }
0x2d: {  	s3 =	simm.s32 $0x108;
	s8 =	sld [smem:$0x3FAF]  }
0x2e: {  	s3 =	simm.s32 @!p0 $0x1082;
	s9 =	sld [smem:$0x3FB0]  }
0x2f: {  	lr =	sadd.s32 s0, s3;
	s0 =	sld [smem:$0x3FA7]  }
0x30: {  	s3 =	sld [smem:$0x3FAA]  }
0x31: {  	[smem:$0x3FB3] =	sst s10  }
0x32: {  	s10 =	sld [smem:$0x3FB1];
	_ =	sdelay $0x3  }
0x33: {  	p0 =	seq.s32 s10, $0x1;
	s10 =	sld [smem:$0x3FB3];
	_ =	sdelay $0x3  }
0x34: {  	[smem:$0x3FB3] =	sst s10  }
0x35: {  	s10 =	sld [smem:$0x3FB2];
	_ =	sdelay $0x3  }
0x36: {  	p1 =	seq.s32 s10, $0x1;
	s10 =	sld [smem:$0x3FB3];
	_ =	sdelay $0x3  }
0x37: {  	[smem:$0x3FB3] =	sst s10  }
0x38: {  	s10 =	sld [smem:$0x3FB4]  }
0x39: {  	_ = 	snop;
	(pc) =	sbr.ind lr, $3  }
0x3a: {  	_ = 	snop  }
0x3b: {  	_ = 	snop  }
0x3c: {  	p2 =	seq.s32 s10, $0x1;
	s10 =	sld [smem:$0x3FB3]  }
0x3d: {  	_ =	shalt  }
0x3e: {  	_ =	shalt  }
0x3f: {  	_ =	shalt  }
0x40: {  	_ =	shalt  }
0x41: {  	_ =	shalt  }
0x42: {  	_ =	shalt  }
0x43: {  	_ =	shalt  }
0x44: {  	_ =	shalt  }
0x45: {  	_ =	shalt  }
0x46: {  	_ =	shalt  }
0x47: {  	_ =	shalt  }
0x48: {  	_ =	shalt  }
0x49: {  	_ =	shalt  }
0x4a: {  	_ =	shalt  }
0x4b: {  	_ =	shalt  }
0x4c: {  	_ =	shalt  }
0x4d: {  	_ =	shalt  }
0x4e: {  	_ =	shalt  }
0x4f: {  	_ =	shalt  }
0x50: {  	_ =	shalt  }
0x51: {  	_ =	shalt  }
0x52: {  	_ =	shalt  }
0x53: {  	_ =	shalt  }
0x54: {  	_ =	shalt  }
0x55: {  	_ =	shalt  }
0x56: {  	_ =	shalt  }
0x57: {  	_ =	shalt  }
0x58: {  	_ =	shalt  }
0x59: {  	_ =	shalt  }
0x5a: {  	_ =	shalt  }
0x5b: {  	_ =	shalt  }
0x5c: {  	_ =	shalt  }
0x5d: {  	_ =	shalt  }
0x5e: {  	_ =	shalt  }
0x5f: {  	_ =	shalt  }
0x60: {  	_ =	shalt  }
0x61: {  	_ =	shalt  }
0x62: {  	_ =	shalt  }
0x63: {  	_ =	shalt  }
0x64: {  	_ =	shalt  }
0x65: {  	_ =	shalt  }
0x66: {  	_ =	shalt  }
0x67: {  	_ =	shalt  }
0x68: {  	_ =	shalt  }
0x69: {  	_ =	shalt  }
0x6a: {  	_ =	shalt  }
0x6b: {  	_ =	shalt  }
0x6c: {  	_ =	shalt  }
0x6d: {  	_ =	shalt  }
0x6e: {  	_ =	shalt  }
0x6f: {  	_ =	shalt  }
0x70: {  	_ =	shalt  }
0x71: {  	_ =	shalt  }
0x72: {  	_ =	shalt  }
0x73: {  	_ =	shalt  }
0x74: {  	_ =	shalt  }
0x75: {  	_ =	shalt  }
0x76: {  	_ =	shalt  }
0x77: {  	_ =	shalt  }
0x78: {  	_ =	shalt  }
0x79: {  	_ =	shalt  }
0x7a: {  	_ =	shalt  }
0x7b: {  	_ =	shalt  }
0x7c: {  	_ =	shalt  }
0x7d: {  	_ =	shalt  }
0x7e: {  	_ =	shalt  }
0x7f: {  	_ =	shalt  }
0x80: {  	_ =	shalt  }
0x81: {  	_ =	shalt  }
0x82: {  	_ =	shalt  }
0x83: {  	_ =	shalt  }
0x84: {  	_ =	shalt  }
0x85: {  	_ =	shalt  }
0x86: {  	_ =	shalt  }
0x87: {  	_ =	shalt  }
.Lfunc_end0:
.L_simem_size_0:
called_computation_lowered:
.L_overlay_start_0:
0x88: {  	s2 =	sld [smem:$0x3FD9]  }
0x89: {  	s3 =	sld [smem:$0x3FFE];
	_ =	sdelay $0x1  }
0x8a: {  	s1 =	srdreg.scid  }
0x8b: {  	s0 =	sand.u32 $0x1, s1  }
0x8c: {  	s14 =	sshll.u32 s0, $0xA;
	s2 =	sadd.s32 s3, s2  }
0x8d: {  	s2 =	sadd.s32 s2, s14  }
0x8e: {  	[smem:$0x3FBF] =	sst s2  }
0x8f: {  	_ = 	snop  }
0x90: {  	s2 =	sld [smem:$0x3FD0];
	_ =	sdelay $0x2  }
0x91: {  	s4 =	simm.s32 $0xA;
	s5 =	simm.s32 $0x10;
	s15 =	sld [smem:$0x3FC1]  }
0x92: {  	[smem:s5], [sflag:s4] =	dma.local [hbm:s2], $0x1  }
0x93: {  	_ =	swait.eq [sflag:s4], $0x1  }
0x94: {  	[sflag:s4] =	ssyncset.done $0x0  }
0x95: {  	[sflag:s4] =	ssyncadd.s32 $0xFFFFFFFF  }
0x96: {  	s16 =	sld [smem:$0x11];
	(tm) =	ssettm $0x1  }
0x97: {  	s17 =	sld [smem:$0x3FFB];
	_ =	sdelay $0x3  }
0x98: {  	_ =	strace s17  }
0x99: {  	s4 =	sld [smem:$0x3FFC];
	_ =	sdelay $0x3  }
0x9a: {  	_ =	strace s4  }
0x9b: {  	s4 =	sld [smem:$0x3FFD];
	_ =	sdelay $0x3  }
0x9c: {  	_ =	strace s4  }
0x9d: {  	_ =	strace $0x8FFFFFFF  }
0x9e: {  	s18 =	sld [smem:$0x3FDB];
	_ =	sdelay $0x1  }
0x9f: {  	s19 =	simm.s32 $_scs_section_size  }
0xa0: {  	s6 =	simm.s32 $_size__tile_overlayer_lowered;
	s7 =	simm.s32 $_tile_overlayer_lowered  }
0xa1: {  	s22 =	simm.s32 $0x1BFF;
	s21 =	sshll.u32 s7, $0x1;
	s4 =	sadd.s32 s19, s18  }
0xa2: {  	s8 =	simm.s32 $0x0;
	s20 =	sshll.u32 s6, $0x1;
	s6 =	sadd.s32 s21, s4  }
0xa3: {  	[timem:s8], [sflag:s22] =	dma.local [hbm:s6], s20  }
0xa4: {  	_ =	swait.ge [sflag:s22], s20  }
0xa5: {  	s5 =	ssub.s32 $0x0, s20;
	[sflag:s22] =	ssyncset.done $0x0  }
0xa6: {  	[sflag:s22] =	ssyncadd.s32 s5;
	_ =	sdelay $0x1  }
0xa7: {  	s23 =	simm.s32 $0x1B8B  }
0xa8: {  	_ =	swait.ge [sflag:s23], $0x1  }
0xa9: {  	[sflag:s23] =	ssyncset.done $0x0  }
0xaa: {  	s25 =	simm.s32 $0x1B8E;
	s24 =	sld [smem:$0x3FFE];
	[sflag:s23] =	ssyncadd.s32 $0xFFFFFFFF  }
0xab: {  	s26 =	simm.s32 $execute0_lowered;
	[smem:$0x3FD2] =	sst s25  }
0xac: {  	s6 =	sshll.u32 s26, $0x1;
	_ =	strace $0x80000046;
	[dreg:$0x1] =	wrdreg $0xFFFFFFFF  }
0xad: {  	s28 =	simm.s32 $_size_execute0_lowered;
	s4 =	sadd.s32 s4, s6;
	[dreg:$0x0] =	wrdreg $0x0  }
0xae: {  	s6 =	sshll.u32 s28, $0x1;
	[dreg:$0x2] =	wrdreg s4  }
0xaf: {  	[dreg:$0x3] =	wrdreg s6  }
0xb0: {  	[dreg:$0x4] =	wrdreg $0xC0  }
0xb1: {  	_ =	task [dreg:s8], $0x5FFFF  }
0xb2: {  	[dreg:$0x1] =	wrdreg $0xFFFFFFFF  }
0xb3: {  	[dreg:$0x0] =	wrdreg $0x60  }
0xb4: {  	[dreg:$0x2] =	wrdreg s15  }
0xb5: {  	[dreg:$0x3] =	wrdreg s24  }
0xb6: {  	[dreg:$0x4] =	wrdreg s16  }
0xb7: {  	[dreg:$0x5] =	wrdreg $0x9  }
0xb8: {  	_ =	task.clear_ibuf [dreg:s8], $0x6FFFF;
	_ =	strace $0x90000046  }
0xb9: {  	s29 =	simm.s32 $0x9;
	_ =	strace $0x80000048  }
0xba: {  	_ =	swait.ge [sflag:s29], $0x1  }
0xbb: {  	[sflag:s29] =	ssyncadd.s32 $0xFFFFFFFF  }
0xbc: {  	_ =	strace $0x90000048  }
0xbd: {  	_ =	sfence  }
0xbe: {  	s30 =	sld [smem:$0x0];
	_ =	sdelay $0x2  }
0xbf: {  	s31 =	sshll.u32 s1, $0xD;
	s1 =	sshrl.u32 s1, $0x2  }
0xc0: {  	s3 =	sand.u32 $0x4000, s31;
	s1 =	sadd.s32 s1, s30  }
0xc1: {  	s0 =	sor.u32 s3, s0;
	s1 =	sshll.u32 s1, $0x11  }
0xc2: {  	s0 =	sor.u32 s1, s0  }
0xc3: {  	s0 =	sadd.s32 $0x8F2B, s0  }
0xc4: {  	[sflag:s0] =	ssyncadd.remote.s32 $0x1  }
0xc5: {  	_ =	sfence.sel $0xFFFF  }
0xc6: {  	[dreg:$0x0] =	wrdreg $0xFFFFFFFF;
	(pc) =	sbr.abs _section_cstart, $3  }
0xc7: {  	[dreg:$0x1] =	wrdreg $0xFFFFFFFF  }
0xc8: {  	_ =	task.clear_ibuf [dreg:s8], $0x2FFFF;
	_ =	strace $0x9FFFFFFF  }
0xc9: {  	(tm) =	ssettm $0x7FFFFFFF  }
tec
execute0_lowered:
.L_overlay_start_1:
0x0: {  	(tag) =	ssettag $0x1  }
0x1: {  	s0 =	rddreg [dreg:$0x0]  }
0x2: {  	s26 =	rddreg [dreg:$0x1]  }
0x3: {  	s1 =	rddreg [dreg:$0x2];
	s3 =	simm.s32 $0x0  }
0x4: {  	s4 =	srdreg.scid;
	s2 =	stileid.u32;
	s18 =	simm.s32 $0x3  }
0x5: {  	s19 =	simm.s32 $0x80;
	s20 =	simm.s32 $0x4000;
	s21 =	simm.s32 $0x4400  }
0x6: {  	s22 =	simm.s32 $0x4200;
	s23 =	simm.s32 $0x8400;
	s24 =	simm.s32 $0x1  }
0x7: {  	s25 =	simm.s32 $0x2;
	s28 =	simm.s32 $0x4280;
	s29 =	simm.s32 $0x4100  }
0x8: {  	s30 =	simm.s32 $0x4300;
	s31 =	simm.s32 $0x4180;
	[dreg:$0x4] =	wrdreg s0  }
0x9: {  	[smem:$0x7FF] =	sst s3;
	s5 =	sand.u32 $0x1, s4;
	s4 =	sadd.s32 $0xF44000, s26  }
0xa: {  	s7 =	sshll.u32 s2, $0x1;
	s15 =	sadd.s32 $0x1C00, s26;
	s0 =	sadd.s32 $0x41C00, s26  }
0xb: {  	s26 =	simm.s32 $0x4080;
	s6 =	ssub.s32 $0x2, s5;
	s9 =	sor.u32 s5, s7  }
0xc: {  	_ =	strace $0x80000047;
	s8 =	sshrl.u32 s6, $0x1;
	s5 =	sshll.u32 s9, $0x9  }
0xd: {  	s10 =	sshll.u32 s9, $0xD;
	s17 =	ssub.s32 s6, s8;
	s6 =	sor.u32 $0x80, s5  }
0xe: {  	s7 =	sor.u32 $0x100, s5;
	s8 =	sor.u32 $0x180, s5;
	s9 =	sadd.s32 s15, s10  }
0xf: {  	s10 =	sadd.s32 s0, s10;
	s12 =	sshll.u32 s6, $0x4;
	s14 =	sshll.u32 s7, $0x4  }
0x10: {  	s16 =	sshll.u32 s8, $0x4;
	s17 =	smax.u32 s17, $0x1;
	s11 =	sadd.s32 s15, s12  }
0x11: {  	s12 =	sadd.s32 s0, s12;
	s13 =	sadd.s32 s15, s14;
	s14 =	sadd.s32 s0, s14  }
0x12: {  	s15 =	sadd.s32 s15, s16;
	s16 =	sadd.s32 s0, s16;
	s0 =	simm.s32 $0x4380  }
.LBB2_1:
0x13: {  	s2 =	rddreg [dreg:$0x4]  }
0x14: {  	[tilespmem:s3], [sflag:$0x3] =	stream.linear.gather [hbm4b:s2+s3], $0x4000, $0x38;
	[tilespmem:$0xC400] =	vst v63  }
0x15: {  	_ =	swait.ge [sflag:s18], $0x4000  }
0x16: {  	[sflag:s18] =	ssyncset.done $0x0  }
0x17: {  	[sflag:s18] =	ssyncadd.s32 $0xFFFFC000  }
0x18: {  	v0 =	vld [tilespmem:s5+$0x0];
	_ =	sdelay $0x4  }
0x19: {  	v1 =	vshra.s32 v0, $0x2  }
0x1a: {  	v0 =	vshra.s32 v0, $0x1;
	[tilespmem:$0x4000] =	vst v1  }
0x1b: {  	[tilespmem:$0x4200] =	vst v0  }
0x1c: {  	v0 =	vld [tilespmem:s5+$0x10];
	_ =	sdelay $0x4  }
0x1d: {  	v33 =	vshra.s32 v0, $0x2  }
0x1e: {  	v0 =	vshra.s32 v0, $0x1;
	[tilespmem:$0x4010] =	vst v33  }
0x1f: {  	[tilespmem:$0x4210] =	vst v0  }
0x20: {  	v0 =	vld [tilespmem:s5+$0x20];
	_ =	sdelay $0x4  }
0x21: {  	v34 =	vshra.s32 v0, $0x2  }
0x22: {  	v0 =	vshra.s32 v0, $0x1;
	[tilespmem:$0x4020] =	vst v34  }
0x23: {  	[tilespmem:$0x4220] =	vst v0  }
0x24: {  	v0 =	vld [tilespmem:s5+$0x30];
	_ =	sdelay $0x4  }
0x25: {  	v35 =	vshra.s32 v0, $0x2  }
0x26: {  	v0 =	vshra.s32 v0, $0x1;
	[tilespmem:$0x4030] =	vst v35  }
0x27: {  	[tilespmem:$0x4230] =	vst v0  }
0x28: {  	v0 =	vld [tilespmem:s5+$0x40];
	_ =	sdelay $0x4  }
0x29: {  	v36 =	vshra.s32 v0, $0x2  }
0x2a: {  	v0 =	vshra.s32 v0, $0x1;
	[tilespmem:$0x4040] =	vst v36  }
0x2b: {  	[tilespmem:$0x4240] =	vst v0  }
0x2c: {  	v0 =	vld [tilespmem:s5+$0x50];
	_ =	sdelay $0x4  }
0x2d: {  	v37 =	vshra.s32 v0, $0x2  }
0x2e: {  	v0 =	vshra.s32 v0, $0x1;
	[tilespmem:$0x4050] =	vst v37  }
0x2f: {  	[tilespmem:$0x4250] =	vst v0  }
0x30: {  	v0 =	vld [tilespmem:s5+$0x60];
	_ =	sdelay $0x4  }
0x31: {  	v38 =	vshra.s32 v0, $0x2  }
0x32: {  	v0 =	vshra.s32 v0, $0x1;
	[tilespmem:$0x4060] =	vst v38  }
0x33: {  	[tilespmem:$0x4260] =	vst v0  }
0x34: {  	v0 =	vld [tilespmem:s5+$0x70];
	_ =	sdelay $0x4  }
0x35: {  	v39 =	vshra.s32 v0, $0x2  }
0x36: {  	v0 =	vshra.s32 v0, $0x1;
	[tilespmem:$0x4070] =	vst v39  }
0x37: {  	[tilespmem:$0x4270] =	vst v0  }
0x38: {  	v0 =	vld [tilespmem:s6+$0x0];
	_ =	sdelay $0x4  }
0x39: {  	v40 =	vshra.s32 v0, $0x2  }
0x3a: {  	v0 =	vshra.s32 v0, $0x1;
	[tilespmem:$0x4080] =	vst v40  }
0x3b: {  	[tilespmem:$0x4280] =	vst v0  }
0x3c: {  	v0 =	vld [tilespmem:s5+$0x90];
	_ =	sdelay $0x4  }
0x3d: {  	v41 =	vshra.s32 v0, $0x2  }
0x3e: {  	v0 =	vshra.s32 v0, $0x1;
	[tilespmem:$0x4090] =	vst v41  }
0x3f: {  	[tilespmem:$0x4290] =	vst v0  }
0x40: {  	v0 =	vld [tilespmem:s5+$0xA0];
	_ =	sdelay $0x4  }
0x41: {  	v42 =	vshra.s32 v0, $0x2  }
0x42: {  	v0 =	vshra.s32 v0, $0x1;
	[tilespmem:$0x40A0] =	vst v42  }
0x43: {  	[tilespmem:$0x42A0] =	vst v0  }
0x44: {  	v0 =	vld [tilespmem:s5+$0xB0];
	_ =	sdelay $0x4  }
0x45: {  	v43 =	vshra.s32 v0, $0x2  }
0x46: {  	v0 =	vshra.s32 v0, $0x1;
	[tilespmem:$0x40B0] =	vst v43  }
0x47: {  	[tilespmem:$0x42B0] =	vst v0  }
0x48: {  	v0 =	vld [tilespmem:s5+$0xC0];
	_ =	sdelay $0x4  }
0x49: {  	v44 =	vshra.s32 v0, $0x2  }
0x4a: {  	v0 =	vshra.s32 v0, $0x1;
	[tilespmem:$0x40C0] =	vst v44  }
0x4b: {  	[tilespmem:$0x42C0] =	vst v0  }
0x4c: {  	v0 =	vld [tilespmem:s5+$0xD0];
	_ =	sdelay $0x4  }
0x4d: {  	v45 =	vshra.s32 v0, $0x2  }
0x4e: {  	v0 =	vshra.s32 v0, $0x1;
	[tilespmem:$0x40D0] =	vst v45  }
0x4f: {  	[tilespmem:$0x42D0] =	vst v0  }
0x50: {  	v0 =	vld [tilespmem:s5+$0xE0];
	_ =	sdelay $0x4  }
0x51: {  	v46 =	vshra.s32 v0, $0x2  }
0x52: {  	v0 =	vshra.s32 v0, $0x1;
	[tilespmem:$0x40E0] =	vst v46  }
0x53: {  	[tilespmem:$0x42E0] =	vst v0  }
0x54: {  	v0 =	vld [tilespmem:s5+$0xF0];
	_ =	sdelay $0x4  }
0x55: {  	v47 =	vshra.s32 v0, $0x2  }
0x56: {  	v0 =	vshra.s32 v0, $0x1;
	[tilespmem:$0x40F0] =	vst v47  }
0x57: {  	[tilespmem:$0x42F0] =	vst v0  }
0x58: {  	v0 =	vld [tilespmem:s7+$0x0];
	_ =	sdelay $0x4  }
0x59: {  	v48 =	vshra.s32 v0, $0x2  }
0x5a: {  	v0 =	vshra.s32 v0, $0x1;
	[tilespmem:$0x4100] =	vst v48  }
0x5b: {  	[tilespmem:$0x4300] =	vst v0  }
0x5c: {  	v0 =	vld [tilespmem:s5+$0x110];
	_ =	sdelay $0x4  }
0x5d: {  	v49 =	vshra.s32 v0, $0x2  }
0x5e: {  	v0 =	vshra.s32 v0, $0x1;
	[tilespmem:$0x4110] =	vst v49  }
0x5f: {  	[tilespmem:$0x4310] =	vst v0  }
0x60: {  	v0 =	vld [tilespmem:s5+$0x120];
	_ =	sdelay $0x4  }
0x61: {  	v50 =	vshra.s32 v0, $0x2  }
0x62: {  	v0 =	vshra.s32 v0, $0x1;
	[tilespmem:$0x4120] =	vst v50  }
0x63: {  	[tilespmem:$0x4320] =	vst v0  }
0x64: {  	v0 =	vld [tilespmem:s5+$0x130];
	_ =	sdelay $0x4  }
0x65: {  	v51 =	vshra.s32 v0, $0x2  }
0x66: {  	v0 =	vshra.s32 v0, $0x1;
	[tilespmem:$0x4130] =	vst v51  }
0x67: {  	[tilespmem:$0x4330] =	vst v0  }
0x68: {  	v0 =	vld [tilespmem:s5+$0x140];
	_ =	sdelay $0x4  }
0x69: {  	v52 =	vshra.s32 v0, $0x2  }
0x6a: {  	v0 =	vshra.s32 v0, $0x1;
	[tilespmem:$0x4140] =	vst v52  }
0x6b: {  	[tilespmem:$0x4340] =	vst v0  }
0x6c: {  	v0 =	vld [tilespmem:s5+$0x150];
	_ =	sdelay $0x4  }
0x6d: {  	v53 =	vshra.s32 v0, $0x2  }
0x6e: {  	v0 =	vshra.s32 v0, $0x1;
	[tilespmem:$0x4150] =	vst v53  }
0x6f: {  	[tilespmem:$0x4350] =	vst v0  }
0x70: {  	v0 =	vld [tilespmem:s5+$0x160];
	_ =	sdelay $0x4  }
0x71: {  	v54 =	vshra.s32 v0, $0x2  }
0x72: {  	v0 =	vshra.s32 v0, $0x1;
	[tilespmem:$0x4160] =	vst v54  }
0x73: {  	[tilespmem:$0x4360] =	vst v0  }
0x74: {  	v0 =	vld [tilespmem:s5+$0x170];
	_ =	sdelay $0x4  }
0x75: {  	v55 =	vshra.s32 v0, $0x2  }
0x76: {  	v0 =	vshra.s32 v0, $0x1;
	[tilespmem:$0x4170] =	vst v55  }
0x77: {  	[tilespmem:$0x4370] =	vst v0  }
0x78: {  	v0 =	vld [tilespmem:s8+$0x0];
	_ =	sdelay $0x4  }
0x79: {  	v56 =	vshra.s32 v0, $0x2  }
0x7a: {  	v0 =	vshra.s32 v0, $0x1;
	[tilespmem:$0x4180] =	vst v56  }
0x7b: {  	[tilespmem:$0x4380] =	vst v0  }
0x7c: {  	v0 =	vld [tilespmem:s5+$0x190];
	_ =	sdelay $0x4  }
0x7d: {  	v57 =	vshra.s32 v0, $0x2  }
0x7e: {  	v0 =	vshra.s32 v0, $0x1;
	[tilespmem:$0x4190] =	vst v57  }
0x7f: {  	[tilespmem:$0x4390] =	vst v0  }
0x80: {  	v0 =	vld [tilespmem:s5+$0x1A0];
	_ =	sdelay $0x4  }
0x81: {  	v58 =	vshra.s32 v0, $0x2  }
0x82: {  	v0 =	vshra.s32 v0, $0x1;
	[tilespmem:$0x41A0] =	vst v58  }
0x83: {  	[tilespmem:$0x43A0] =	vst v0  }
0x84: {  	v0 =	vld [tilespmem:s5+$0x1B0];
	_ =	sdelay $0x4  }
0x85: {  	v59 =	vshra.s32 v0, $0x2  }
0x86: {  	v0 =	vshra.s32 v0, $0x1;
	[tilespmem:$0x41B0] =	vst v59  }
0x87: {  	[tilespmem:$0x43B0] =	vst v0  }
0x88: {  	v0 =	vld [tilespmem:s5+$0x1C0];
	_ =	sdelay $0x4  }
0x89: {  	v60 =	vshra.s32 v0, $0x2  }
0x8a: {  	v0 =	vshra.s32 v0, $0x1;
	[tilespmem:$0x41C0] =	vst v60  }
0x8b: {  	[tilespmem:$0x43C0] =	vst v0  }
0x8c: {  	v0 =	vld [tilespmem:s5+$0x1D0];
	_ =	sdelay $0x4  }
0x8d: {  	v61 =	vshra.s32 v0, $0x2  }
0x8e: {  	v0 =	vshra.s32 v0, $0x1;
	[tilespmem:$0x41D0] =	vst v61  }
0x8f: {  	[tilespmem:$0x43D0] =	vst v0  }
0x90: {  	v0 =	vld [tilespmem:s5+$0x1E0];
	_ =	sdelay $0x4  }
0x91: {  	v62 =	vshra.s32 v0, $0x2  }
0x92: {  	v0 =	vshra.s32 v0, $0x1;
	[tilespmem:$0x41E0] =	vst v62  }
0x93: {  	[tilespmem:$0x43E0] =	vst v0  }
0x94: {  	v0 =	vld [tilespmem:s5+$0x1F0];
	_ =	sdelay $0x4  }
0x95: {  	v63 =	vshra.s32 v0, $0x2  }
0x96: {  	v0 =	vshra.s32 v0, $0x1;
	[tilespmem:$0x41F0] =	vst v63  }
0x97: {  	[tilespmem:$0x43F0] =	vst v0  }
0x98: {  	[tilespmem:s21], [sflag:$0x1] =	stream.indirect.gather [hbm4b:s4+s19], $0x80, s20, s19, $0xb8;
	[tilespmem:$0xC400] =	vst v63  }
0x99: {  	_ = 	snop  }
0x9a: {  	[tilespmem:s23], [sflag:$0x2] =	stream.indirect.gather [hbm4b:s1+s19], $0x80, s22, s19, $0xb8;
	[tilespmem:$0xC400] =	vst v63  }
0x9b: {  	_ =	swait.ge [sflag:s24], $0x4000  }
0x9c: {  	[sflag:s24] =	ssyncset.done $0x0  }
0x9d: {  	[sflag:s24] =	ssyncadd.s32 $0xFFFFC000  }
0x9e: {  	_ =	swait.ge [sflag:s25], $0x4000  }
0x9f: {  	[sflag:s25] =	ssyncset.done $0x0  }
0xa0: {  	[sflag:s25] =	ssyncadd.s32 $0xFFFFC000  }
0xa1: {  	[hbm4b:s9+s3] =	stream.linear.scatter [tilespmem:s21], [sflag:$0x3], $0x4000, $0x38;
	[tilespmem:$0xC400] =	vst v63  }
0xa2: {  	_ =	swait.ge [sflag:s18], $0x4000  }
0xa3: {  	[sflag:s18] =	ssyncset.done $0x0  }
0xa4: {  	[sflag:s18] =	ssyncadd.s32 $0xFFFFC000  }
0xa5: {  	[hbm4b:s10+s3] =	stream.linear.scatter [tilespmem:s23], [sflag:$0x3], $0x4000, $0x38;
	[tilespmem:$0xC400] =	vst v63  }
0xa6: {  	_ =	swait.ge [sflag:s18], $0x4000  }
0xa7: {  	[sflag:s18] =	ssyncset.done $0x0  }
0xa8: {  	[sflag:s18] =	ssyncadd.s32 $0xFFFFC000  }
0xa9: {  	[tilespmem:s21], [sflag:$0x1] =	stream.indirect.gather [hbm4b:s4+s19], $0x80, s26, s19, $0xb8;
	[tilespmem:$0xC400] =	vst v63  }
0xaa: {  	_ = 	snop  }
0xab: {  	[tilespmem:s23], [sflag:$0x2] =	stream.indirect.gather [hbm4b:s1+s19], $0x80, s28, s19, $0xb8;
	[tilespmem:$0xC400] =	vst v63  }
0xac: {  	_ =	swait.ge [sflag:s24], $0x4000  }
0xad: {  	[sflag:s24] =	ssyncset.done $0x0  }
0xae: {  	[sflag:s24] =	ssyncadd.s32 $0xFFFFC000  }
0xaf: {  	_ =	swait.ge [sflag:s25], $0x4000  }
0xb0: {  	[sflag:s25] =	ssyncset.done $0x0  }
0xb1: {  	[sflag:s25] =	ssyncadd.s32 $0xFFFFC000  }
0xb2: {  	[hbm4b:s11+s3] =	stream.linear.scatter [tilespmem:s21], [sflag:$0x3], $0x4000, $0x38;
	[tilespmem:$0xC400] =	vst v63  }
0xb3: {  	_ =	swait.ge [sflag:s18], $0x4000  }
0xb4: {  	[sflag:s18] =	ssyncset.done $0x0  }
0xb5: {  	[sflag:s18] =	ssyncadd.s32 $0xFFFFC000  }
0xb6: {  	[hbm4b:s12+s3] =	stream.linear.scatter [tilespmem:s23], [sflag:$0x3], $0x4000, $0x38;
	[tilespmem:$0xC400] =	vst v63  }
0xb7: {  	_ =	swait.ge [sflag:s18], $0x4000  }
0xb8: {  	[sflag:s18] =	ssyncset.done $0x0  }
0xb9: {  	[sflag:s18] =	ssyncadd.s32 $0xFFFFC000  }
0xba: {  	[tilespmem:s21], [sflag:$0x1] =	stream.indirect.gather [hbm4b:s4+s19], $0x80, s29, s19, $0xb8;
	[tilespmem:$0xC400] =	vst v63  }
0xbb: {  	_ = 	snop  }
0xbc: {  	[tilespmem:s23], [sflag:$0x2] =	stream.indirect.gather [hbm4b:s1+s19], $0x80, s30, s19, $0xb8;
	[tilespmem:$0xC400] =	vst v63  }
0xbd: {  	_ =	swait.ge [sflag:s24], $0x4000  }
0xbe: {  	[sflag:s24] =	ssyncset.done $0x0  }
0xbf: {  	[sflag:s24] =	ssyncadd.s32 $0xFFFFC000  }
0xc0: {  	_ =	swait.ge [sflag:s25], $0x4000  }
0xc1: {  	[sflag:s25] =	ssyncset.done $0x0  }
0xc2: {  	[sflag:s25] =	ssyncadd.s32 $0xFFFFC000  }
0xc3: {  	[hbm4b:s13+s3] =	stream.linear.scatter [tilespmem:s21], [sflag:$0x3], $0x4000, $0x38;
	[tilespmem:$0xC400] =	vst v63  }
0xc4: {  	_ =	swait.ge [sflag:s18], $0x4000  }
0xc5: {  	[sflag:s18] =	ssyncset.done $0x0  }
0xc6: {  	[sflag:s18] =	ssyncadd.s32 $0xFFFFC000  }
0xc7: {  	[hbm4b:s14+s3] =	stream.linear.scatter [tilespmem:s23], [sflag:$0x3], $0x4000, $0x38;
	[tilespmem:$0xC400] =	vst v63  }
0xc8: {  	_ =	swait.ge [sflag:s18], $0x4000  }
0xc9: {  	[sflag:s18] =	ssyncset.done $0x0  }
0xca: {  	[sflag:s18] =	ssyncadd.s32 $0xFFFFC000  }
0xcb: {  	[tilespmem:s21], [sflag:$0x1] =	stream.indirect.gather [hbm4b:s4+s19], $0x80, s31, s19, $0xb8;
	[tilespmem:$0xC400] =	vst v63  }
0xcc: {  	_ = 	snop  }
0xcd: {  	[tilespmem:s23], [sflag:$0x2] =	stream.indirect.gather [hbm4b:s1+s19], $0x80, s0, s19, $0xb8;
	[tilespmem:$0xC400] =	vst v63  }
0xce: {  	_ =	swait.ge [sflag:s24], $0x4000  }
0xcf: {  	[sflag:s24] =	ssyncset.done $0x0  }
0xd0: {  	[sflag:s24] =	ssyncadd.s32 $0xFFFFC000  }
0xd1: {  	_ =	swait.ge [sflag:s25], $0x4000  }
0xd2: {  	[sflag:s25] =	ssyncset.done $0x0  }
0xd3: {  	[sflag:s25] =	ssyncadd.s32 $0xFFFFC000  }
0xd4: {  	[hbm4b:s15+s3] =	stream.linear.scatter [tilespmem:s21], [sflag:$0x3], $0x4000, $0x38;
	[tilespmem:$0xC400] =	vst v63  }
0xd5: {  	_ =	swait.ge [sflag:s18], $0x4000  }
0xd6: {  	p0 =	sne.s32 s17, $0x1;
	[sflag:s18] =	ssyncset.done $0x0  }
.Ltmp0:
0xd7: {  	[sflag:s18] =	ssyncadd.s32 $0xFFFFC000;
	(pc) =	sbr.rel @p0 .LBB2_1-.Ltmp0, $4  }
0xd8: {  	[hbm4b:s16+s3] =	stream.linear.scatter [tilespmem:s23], [sflag:$0x3], $0x4000, $0x38;
	[tilespmem:$0xC400] =	vst v63  }
0xd9: {  	_ =	swait.ge [sflag:s18], $0x4000  }
0xda: {  	[sflag:s18] =	ssyncset.done $0x0  }
0xdb: {  	s17 =	sadd.s32 $0xFFFFFFFF, s17;
	[sflag:s18] =	ssyncadd.s32 $0xFFFFC000  }
0xdc: {  	_ =	sfence.sel $0x180000  }
0xdd: {  	[bflag:$0x0] =	sbarrier.arrive $0xFFFF  }
0xde: {  	_ =	strace $0x90000047  }
0xdf: {  	s0 =	stileid.u32;
	[bflag:$0x2] =	sbarrier.arrive $0xFFFF  }
0xe0: {  	p0 =	sne.s32 s0, $0x0;
	s0 =	rddreg [dreg:$0x3]  }
0xe1: {  	s0 =	sadd.s32 @!p0 $0x100000, s0  }
0xe2: {  	[sflag:s0] =	ssyncadd.tile.s32 @!p0 $0x1;
	_ =	shalt  }
.Lfunc_end2:
_tile_overlayer_lowered:
.L_overlay_start_2:
0xe3: {  	(tag) =	ssettag $0x2  }
0xe4: {  	s0 =	rddreg [dreg:$0x0];
	s2 =	stileid.u32  }
0xe5: {  	s1 =	rddreg [dreg:$0x1];
	p0 =	sne.s32 s2, $0x0  }
0xe6: {  	s3 =	rddreg [dreg:$0x2];
	[bflag:$0x3] =	sbarrier.arrive $0xFFFF;
	s2 =	simm.s32 @!p0 $0x1C03  }
0xe7: {  	[timem:s3], [sflag:s2] =	dma.local @!p0 [hbm:s0], s1  }
0xe8: {  	s0 =	simm.s32 @!p0 $0x3  }
0xe9: {  	_ =	swait.ge @!p0 [sflag:s0], s1  }
0xea: {  	s1 =	ssub.s32 @!p0 $0x0, s1;
	[sflag:s0] =	ssyncset.done @!p0 $0x0  }
0xeb: {  	[sflag:s0] =	ssyncadd.s32 @!p0 s1  }
0xec: {  	[bflag:$0x3] =	sbarrier.arrive $0xFFFF  }
0xed: {  	_ =	shalt  }

</sc_bundles>
